<compile_context>
chip_gen: v7x
topology: tpu7x:2x2x1
jax: 0.10.2.dev20260603
libtpu: 0.0.44.dev20260713+nightly
codegen_flags: <defaults>
</compile_context>

<pallas_src>
import functools

import jax
import jax.numpy as jnp
from jax import lax
from jax.experimental import pallas as pl
from jax.experimental.pallas import tpu as pltpu
from jax.experimental.pallas import tpu_sc as plsc

L_SPINS = 20
BATCH = 16384
DELTA = 1e-15

NUM_CORES = 2
NUM_SUBCORES = 16
NW = NUM_CORES * NUM_SUBCORES
BW = BATCH // NW
CHUNK = 128
NCHUNK = BW // CHUNK
VPC = CHUNK // 16

_LN2 = 0.6931472
_SQRT2 = 1.4142135
_PI = 3.14159265358979


def _log_abs(v):
    x = jnp.abs(v + jnp.float32(DELTA))
    bits = lax.bitcast_convert_type(x, jnp.int32)
    e = (bits >> 23) - 127
    m = lax.bitcast_convert_type((bits & 0x007FFFFF) | 0x3F800000, jnp.float32)
    big = m > jnp.float32(_SQRT2)
    m = jnp.where(big, m * jnp.float32(0.5), m)
    e = jnp.where(big, e + 1, e)
    ef = e.astype(jnp.float32)
    t = (m - jnp.float32(1.0)) / (m + jnp.float32(1.0))
    t2 = t * t
    p = t * (jnp.float32(2.0)
             + t2 * (jnp.float32(2 / 3)
                     + t2 * (jnp.float32(2 / 5) + t2 * jnp.float32(2 / 7))))
    return ef * jnp.float32(_LN2) + p


def _sc_kernel(s, table):
    mesh = plsc.VectorSubcoreMesh(core_axis_name="c", subcore_axis_name="s")

    @functools.partial(
        pl.kernel,
        out_type=jax.ShapeDtypeStruct((2, BATCH), jnp.float32),
        mesh=mesh,
        scratch_types=[
            pltpu.VMEM((L_SPINS, BW), jnp.int32),
            pltpu.VMEM((NCHUNK, CHUNK), jnp.int32),
            pltpu.VMEM((NCHUNK, CHUNK), jnp.float32),
            pltpu.VMEM((2, BW), jnp.float32),
            pltpu.SemaphoreType.DMA,
            pltpu.SemaphoreType.DMA,
        ],
    )
    def k(s_hbm, t_hbm, out_hbm, s_v, idx_v, vals_v, out_v, sem_s, sem_g):
        wid = lax.axis_index("s") * NUM_CORES + lax.axis_index("c")
        base = wid * BW

        s_copies = []
        for j in range(NCHUNK):
            c = pltpu.make_async_copy(
                s_hbm.at[:, pl.ds(base + j * CHUNK, CHUNK)],
                s_v.at[:, pl.ds(j * CHUNK, CHUNK)], sem_s)
            c.start()
            s_copies.append(c)

        gathers = []
        for j in range(NCHUNK):
            s_copies[j].wait()

            def build(kk, carry, j=j):
                off = j * CHUNK + kk * 16
                acc = s_v[0, pl.ds(off, 16)]
                for l in range(1, L_SPINS):
                    acc = acc + (s_v[l, pl.ds(off, 16)] << l)
                idx_v[j, pl.ds(kk * 16, 16)] = acc
                return carry
            lax.fori_loop(0, VPC, build, 0)
            g = pltpu.make_async_copy(t_hbm.at[idx_v.at[j]], vals_v.at[j], sem_g)
            g.start()
            gathers.append(g)

        for j in range(NCHUNK):
            gathers[j].wait()

            def elem(kk, carry, j=j):
                off = j * CHUNK + kk * 16
                v = vals_v[j, pl.ds(kk * 16, 16)]
                vbits = lax.bitcast_convert_type(v, jnp.int32)
                out_v[0, pl.ds(off, 16)] = _log_abs(v)
                out_v[1, pl.ds(off, 16)] = jnp.where(
                    vbits < 0, jnp.float32(_PI), jnp.float32(0.0))
                return carry
            lax.fori_loop(0, VPC, elem, 0)

        pltpu.sync_copy(out_v, out_hbm.at[:, pl.ds(base, BW)])

    return k(s, table)


def kernel(s, kernel):
    out = _sc_kernel(s, kernel)
    return lax.complex(out[0], out[1])

# --- scband reference (transcript-rebuilt; emitter-appended) ---
"""Pipeline reference for scband-target-73753178407252 (READ-ONLY COPY).

The authoritative reference and input builder live on the scoring server;
editing this copy changes nothing except your own understanding.
"""

import jax, jax.numpy as jnp
import numpy as np

L = 20
D = 2.0
DELTA = 1e-15
BATCH = 16384

def setup_inputs(seed: int = 0) -> dict:
    key = jax.random.key(seed)
    k1, k2 = jax.random.split(key)
    # spin configurations: shape [L, B] with values in {0, 1} so that
    # (d ** arange(L)).dot(s) yields one integer index per batch element
    s = jax.random.randint(k1, (L, BATCH), 0, 2).astype(jnp.int32)
    # learned parameter 'kernel' of size d**L (original init is constant 1;
    # we use random values so abs/angle are nontrivial)
    kernel = jax.random.normal(k2, (int(D ** L),), dtype=jnp.float32)
    return {"s": s, "kernel": kernel}

def reference(s, kernel):
    # idx = (d ** arange(L)) . s  -> integer index into the Hilbert-space vector
    powers = D ** jnp.arange(L)  # float, exact powers of two up to 2**19
    idx = powers.dot(s.astype(powers.dtype)).astype(jnp.int32)
    vals = jnp.take(kernel, idx, axis=0)
    return jnp.log(jnp.abs(vals + DELTA)) + 1j * jnp.angle(vals)

if __name__ == "__main__":
    import jax
    _d = setup_inputs()
    print(jax.jit(kernel)(*tuple(_d.values())))

</pallas_src>

<mosaic_0001>
#map = affine_map<(d0, d1) -> (0, 0)>
#map1 = affine_map<(d0, d1) -> (0)>
module attributes {stable_mosaic.version = 14 : i64} {
  func.func @k(%arg0: i32, %arg1: i32, %arg2: memref<20x16384xi32, #tpu.memory_space<hbm>>, %arg3: memref<1048576xf32, #tpu.memory_space<hbm>>, %arg4: memref<2x16384xf32, #tpu.memory_space<hbm>>, %arg5: memref<20x512xi32, #tpu.memory_space<vmem>>, %arg6: memref<4x128xi32, #tpu.memory_space<vmem>>, %arg7: memref<4x128xf32, #tpu.memory_space<vmem>>, %arg8: memref<2x512xf32, #tpu.memory_space<vmem>>, %arg9: memref<!tpu.dma_semaphore, #tpu.memory_space<semaphore_mem>>, %arg10: memref<!tpu.dma_semaphore, #tpu.memory_space<semaphore_mem>>) attributes {dimension_semantics = [#tpu.dimension_semantics<core_parallel>, #tpu.dimension_semantics<subcore_parallel>], iteration_bounds = array<i64: 2, 16>, scalar_prefetch = 0 : i64, scratch_operands = 6 : i64, tpu.core_type = #tpu.core_type<sc_vector_subcore>, window_params = [{transform_indices = #map}, {transform_indices = #map1}, {transform_indices = #map}]} {
    %mul3A = arith.constant 2 : i32
    %mul3A_0 = arith.muli %arg1, %mul3A : i32
    %add3A = arith.addi %mul3A_0, %arg0 : i32
    %mul3A_1 = arith.constant 512 : i32
    %mul3A_2 = arith.muli %add3A, %mul3A_1 : i32
    %add3A_3 = arith.constant 0 : i32
    %add3A_4 = arith.addi %mul3A_2, %add3A_3 : i32
    %dma_start3A = arith.constant 0 : i32
    %dma_start3A_5 = arith.constant 0 : i32
    %dma_start3A_6 = tpu.memref_slice %arg5[%dma_start3A, %dma_start3A_5] : memref<20x512xi32, #tpu.memory_space<vmem>> -> memref<20x128xi32, #tpu.memory_space<vmem>>
    %dma_start3A_7 = arith.constant 0 : i32
    %dma_start3A_8 = tpu.memref_slice %arg2[%dma_start3A_7, %add3A_4] : memref<20x16384xi32, #tpu.memory_space<hbm>> -> memref<20x128xi32, #tpu.memory_space<hbm>>
    %dma_start3A_9 = arith.constant 0 : i32
    %dma_start3A_10 = arith.constant 0 : i32
    %dma_start3A_11 = tpu.memref_slice %arg5[%dma_start3A_9, %dma_start3A_10] : memref<20x512xi32, #tpu.memory_space<vmem>> -> memref<20x128xi32, #tpu.memory_space<vmem>>
    %dma_start3A_12 = arith.constant 0 : i32
    %dma_start3A_13 = tpu.memref_slice %arg2[%dma_start3A_12, %add3A_4] : memref<20x16384xi32, #tpu.memory_space<hbm>> -> memref<20x128xi32, #tpu.memory_space<hbm>>
    tpu.enqueue_dma source(%dma_start3A_13 : memref<20x128xi32, #tpu.memory_space<hbm>>) target(%dma_start3A_11 : memref<20x128xi32, #tpu.memory_space<vmem>>) target_semaphore(%arg9 : memref<!tpu.dma_semaphore, #tpu.memory_space<semaphore_mem>>)
    %add3A_14 = arith.constant 128 : i32
    %add3A_15 = arith.addi %mul3A_2, %add3A_14 : i32
    %dma_start3A_16 = arith.constant 0 : i32
    %dma_start3A_17 = arith.constant 128 : i32
    %dma_start3A_18 = tpu.memref_slice %arg5[%dma_start3A_16, %dma_start3A_17] : memref<20x512xi32, #tpu.memory_space<vmem>> -> memref<20x128xi32, #tpu.memory_space<vmem>>
    %dma_start3A_19 = arith.constant 0 : i32
    %dma_start3A_20 = tpu.memref_slice %arg2[%dma_start3A_19, %add3A_15] : memref<20x16384xi32, #tpu.memory_space<hbm>> -> memref<20x128xi32, #tpu.memory_space<hbm>>
    %dma_start3A_21 = arith.constant 0 : i32
    %dma_start3A_22 = arith.constant 128 : i32
    %dma_start3A_23 = tpu.memref_slice %arg5[%dma_start3A_21, %dma_start3A_22] : memref<20x512xi32, #tpu.memory_space<vmem>> -> memref<20x128xi32, #tpu.memory_space<vmem>>
    %dma_start3A_24 = arith.constant 0 : i32
    %dma_start3A_25 = tpu.memref_slice %arg2[%dma_start3A_24, %add3A_15] : memref<20x16384xi32, #tpu.memory_space<hbm>> -> memref<20x128xi32, #tpu.memory_space<hbm>>
    tpu.enqueue_dma source(%dma_start3A_25 : memref<20x128xi32, #tpu.memory_space<hbm>>) target(%dma_start3A_23 : memref<20x128xi32, #tpu.memory_space<vmem>>) target_semaphore(%arg9 : memref<!tpu.dma_semaphore, #tpu.memory_space<semaphore_mem>>)
    %add3A_26 = arith.constant 256 : i32
    %add3A_27 = arith.addi %mul3A_2, %add3A_26 : i32
    %dma_start3A_28 = arith.constant 0 : i32
    %dma_start3A_29 = arith.constant 256 : i32
    %dma_start3A_30 = tpu.memref_slice %arg5[%dma_start3A_28, %dma_start3A_29] : memref<20x512xi32, #tpu.memory_space<vmem>> -> memref<20x128xi32, #tpu.memory_space<vmem>>
    %dma_start3A_31 = arith.constant 0 : i32
    %dma_start3A_32 = tpu.memref_slice %arg2[%dma_start3A_31, %add3A_27] : memref<20x16384xi32, #tpu.memory_space<hbm>> -> memref<20x128xi32, #tpu.memory_space<hbm>>
    %dma_start3A_33 = arith.constant 0 : i32
    %dma_start3A_34 = arith.constant 256 : i32
    %dma_start3A_35 = tpu.memref_slice %arg5[%dma_start3A_33, %dma_start3A_34] : memref<20x512xi32, #tpu.memory_space<vmem>> -> memref<20x128xi32, #tpu.memory_space<vmem>>
    %dma_start3A_36 = arith.constant 0 : i32
    %dma_start3A_37 = tpu.memref_slice %arg2[%dma_start3A_36, %add3A_27] : memref<20x16384xi32, #tpu.memory_space<hbm>> -> memref<20x128xi32, #tpu.memory_space<hbm>>
    tpu.enqueue_dma source(%dma_start3A_37 : memref<20x128xi32, #tpu.memory_space<hbm>>) target(%dma_start3A_35 : memref<20x128xi32, #tpu.memory_space<vmem>>) target_semaphore(%arg9 : memref<!tpu.dma_semaphore, #tpu.memory_space<semaphore_mem>>)
    %add3A_38 = arith.constant 384 : i32
    %add3A_39 = arith.addi %mul3A_2, %add3A_38 : i32
    %dma_start3A_40 = arith.constant 0 : i32
    %dma_start3A_41 = arith.constant 384 : i32
    %dma_start3A_42 = tpu.memref_slice %arg5[%dma_start3A_40, %dma_start3A_41] : memref<20x512xi32, #tpu.memory_space<vmem>> -> memref<20x128xi32, #tpu.memory_space<vmem>>
    %dma_start3A_43 = arith.constant 0 : i32
    %dma_start3A_44 = tpu.memref_slice %arg2[%dma_start3A_43, %add3A_39] : memref<20x16384xi32, #tpu.memory_space<hbm>> -> memref<20x128xi32, #tpu.memory_space<hbm>>
    %dma_start3A_45 = arith.constant 0 : i32
    %dma_start3A_46 = arith.constant 384 : i32
    %dma_start3A_47 = tpu.memref_slice %arg5[%dma_start3A_45, %dma_start3A_46] : memref<20x512xi32, #tpu.memory_space<vmem>> -> memref<20x128xi32, #tpu.memory_space<vmem>>
    %dma_start3A_48 = arith.constant 0 : i32
    %dma_start3A_49 = tpu.memref_slice %arg2[%dma_start3A_48, %add3A_39] : memref<20x16384xi32, #tpu.memory_space<hbm>> -> memref<20x128xi32, #tpu.memory_space<hbm>>
    tpu.enqueue_dma source(%dma_start3A_49 : memref<20x128xi32, #tpu.memory_space<hbm>>) target(%dma_start3A_47 : memref<20x128xi32, #tpu.memory_space<vmem>>) target_semaphore(%arg9 : memref<!tpu.dma_semaphore, #tpu.memory_space<semaphore_mem>>)
    %dma_wait3A = arith.constant 0 : i32
    %dma_wait3A_50 = arith.constant 0 : i32
    %dma_wait3A_51 = tpu.memref_slice %arg5[%dma_wait3A, %dma_wait3A_50] : memref<20x512xi32, #tpu.memory_space<vmem>> -> memref<20x128xi32, #tpu.memory_space<vmem>>
    %dma_wait3A_52 = arith.constant 0 : i32
    %dma_wait3A_53 = tpu.memref_slice %arg2[%dma_wait3A_52, %add3A_4] : memref<20x16384xi32, #tpu.memory_space<hbm>> -> memref<20x128xi32, #tpu.memory_space<hbm>>
    %dma_wait3A_54 = arith.constant 0 : i32
    %dma_wait3A_55 = arith.constant 0 : i32
    %dma_wait3A_56 = tpu.memref_slice %arg5[%dma_wait3A_54, %dma_wait3A_55] : memref<20x512xi32, #tpu.memory_space<vmem>> -> memref<20x128xi32, #tpu.memory_space<vmem>>
    %dma_wait3A_57 = arith.constant 0 : i32
    %dma_wait3A_58 = tpu.memref_slice %arg2[%dma_wait3A_57, %add3A_4] : memref<20x16384xi32, #tpu.memory_space<hbm>> -> memref<20x128xi32, #tpu.memory_space<hbm>>
    tpu.wait_dma2 semaphore(%arg9 : memref<!tpu.dma_semaphore, #tpu.memory_space<semaphore_mem>>) src(%dma_wait3A_58 : memref<20x128xi32, #tpu.memory_space<hbm>>) dst(%dma_wait3A_56 : memref<20x128xi32, #tpu.memory_space<vmem>>)
    %scan3A = arith.constant 0 : i32
    %scan3A_59 = arith.constant 0 : i32
    %scan3A_60 = arith.constant 8 : i32
    %scan3A_61 = arith.addi %scan3A_59, %scan3A_60 : i32
    %scan3A_62 = arith.constant 1 : i32
    scf.for %scan3A_216 = %scan3A_59 to %scan3A_61 step %scan3A_62  : i32 {
      %mul3A_217 = arith.constant 16 : i32
      %mul3A_218 = arith.muli %scan3A_216, %mul3A_217 : i32
      %add3A_219 = arith.constant 0 : i32
      %add3A_220 = arith.addi %add3A_219, %mul3A_218 : i32
      %get3A = arith.constant 0 : i32
      %get3A_221 = arith.index_cast %get3A : i32 to index
      %get3A_222 = arith.index_cast %add3A_220 : i32 to index
      %get3A_223 = tpu.vector_load %arg5[%get3A_221, %get3A_222] {strides = array<i32>} : memref<20x512xi32, #tpu.memory_space<vmem>>, vector<1x16xi32>,
      %get3A_224 = vector.shape_cast %get3A_223 : vector<1x16xi32> to vector<16xi32>
      %get3A_225 = arith.constant 1 : i32
      %get3A_226 = arith.index_cast %get3A_225 : i32 to index
      %get3A_227 = arith.index_cast %add3A_220 : i32 to index
      %get3A_228 = tpu.vector_load %arg5[%get3A_226, %get3A_227] {strides = array<i32>} : memref<20x512xi32, #tpu.memory_space<vmem>>, vector<1x16xi32>,
      %get3A_229 = vector.shape_cast %get3A_228 : vector<1x16xi32> to vector<16xi32>
      %shift_left3A = arith.constant 1 : i32
      %shift_left3A_230 = vector.broadcast %shift_left3A : i32 to vector<16xi32>
      %shift_left3A_231 = arith.shli %get3A_229, %shift_left3A_230 : vector<16xi32>
      %add3A_232 = arith.addi %get3A_224, %shift_left3A_231 : vector<16xi32>
      %get3A_233 = arith.constant 2 : i32
      %get3A_234 = arith.index_cast %get3A_233 : i32 to index
      %get3A_235 = arith.index_cast %add3A_220 : i32 to index
      %get3A_236 = tpu.vector_load %arg5[%get3A_234, %get3A_235] {strides = array<i32>} : memref<20x512xi32, #tpu.memory_space<vmem>>, vector<1x16xi32>,
      %get3A_237 = vector.shape_cast %get3A_236 : vector<1x16xi32> to vector<16xi32>
      %shift_left3A_238 = arith.constant 2 : i32
      %shift_left3A_239 = vector.broadcast %shift_left3A_238 : i32 to vector<16xi32>
      %shift_left3A_240 = arith.shli %get3A_237, %shift_left3A_239 : vector<16xi32>
      %add3A_241 = arith.addi %add3A_232, %shift_left3A_240 : vector<16xi32>
      %get3A_242 = arith.constant 3 : i32
      %get3A_243 = arith.index_cast %get3A_242 : i32 to index
      %get3A_244 = arith.index_cast %add3A_220 : i32 to index
      %get3A_245 = tpu.vector_load %arg5[%get3A_243, %get3A_244] {strides = array<i32>} : memref<20x512xi32, #tpu.memory_space<vmem>>, vector<1x16xi32>,
      %get3A_246 = vector.shape_cast %get3A_245 : vector<1x16xi32> to vector<16xi32>
      %shift_left3A_247 = arith.constant 3 : i32
      %shift_left3A_248 = vector.broadcast %shift_left3A_247 : i32 to vector<16xi32>
      %shift_left3A_249 = arith.shli %get3A_246, %shift_left3A_248 : vector<16xi32>
      %add3A_250 = arith.addi %add3A_241, %shift_left3A_249 : vector<16xi32>
      %get3A_251 = arith.constant 4 : i32
      %get3A_252 = arith.index_cast %get3A_251 : i32 to index
      %get3A_253 = arith.index_cast %add3A_220 : i32 to index
      %get3A_254 = tpu.vector_load %arg5[%get3A_252, %get3A_253] {strides = array<i32>} : memref<20x512xi32, #tpu.memory_space<vmem>>, vector<1x16xi32>,
      %get3A_255 = vector.shape_cast %get3A_254 : vector<1x16xi32> to vector<16xi32>
      %shift_left3A_256 = arith.constant 4 : i32
      %shift_left3A_257 = vector.broadcast %shift_left3A_256 : i32 to vector<16xi32>
      %shift_left3A_258 = arith.shli %get3A_255, %shift_left3A_257 : vector<16xi32>
      %add3A_259 = arith.addi %add3A_250, %shift_left3A_258 : vector<16xi32>
      %get3A_260 = arith.constant 5 : i32
      %get3A_261 = arith.index_cast %get3A_260 : i32 to index
      %get3A_262 = arith.index_cast %add3A_220 : i32 to index
      %get3A_263 = tpu.vector_load %arg5[%get3A_261, %get3A_262] {strides = array<i32>} : memref<20x512xi32, #tpu.memory_space<vmem>>, vector<1x16xi32>,
      %get3A_264 = vector.shape_cast %get3A_263 : vector<1x16xi32> to vector<16xi32>
      %shift_left3A_265 = arith.constant 5 : i32
      %shift_left3A_266 = vector.broadcast %shift_left3A_265 : i32 to vector<16xi32>
      %shift_left3A_267 = arith.shli %get3A_264, %shift_left3A_266 : vector<16xi32>
      %add3A_268 = arith.addi %add3A_259, %shift_left3A_267 : vector<16xi32>
      %get3A_269 = arith.constant 6 : i32
      %get3A_270 = arith.index_cast %get3A_269 : i32 to index
      %get3A_271 = arith.index_cast %add3A_220 : i32 to index
      %get3A_272 = tpu.vector_load %arg5[%get3A_270, %get3A_271] {strides = array<i32>} : memref<20x512xi32, #tpu.memory_space<vmem>>, vector<1x16xi32>,
      %get3A_273 = vector.shape_cast %get3A_272 : vector<1x16xi32> to vector<16xi32>
      %shift_left3A_274 = arith.constant 6 : i32
      %shift_left3A_275 = vector.broadcast %shift_left3A_274 : i32 to vector<16xi32>
      %shift_left3A_276 = arith.shli %get3A_273, %shift_left3A_275 : vector<16xi32>
      %add3A_277 = arith.addi %add3A_268, %shift_left3A_276 : vector<16xi32>
      %get3A_278 = arith.constant 7 : i32
      %get3A_279 = arith.index_cast %get3A_278 : i32 to index
      %get3A_280 = arith.index_cast %add3A_220 : i32 to index
      %get3A_281 = tpu.vector_load %arg5[%get3A_279, %get3A_280] {strides = array<i32>} : memref<20x512xi32, #tpu.memory_space<vmem>>, vector<1x16xi32>,
      %get3A_282 = vector.shape_cast %get3A_281 : vector<1x16xi32> to vector<16xi32>
      %shift_left3A_283 = arith.constant 7 : i32
      %shift_left3A_284 = vector.broadcast %shift_left3A_283 : i32 to vector<16xi32>
      %shift_left3A_285 = arith.shli %get3A_282, %shift_left3A_284 : vector<16xi32>
      %add3A_286 = arith.addi %add3A_277, %shift_left3A_285 : vector<16xi32>
      %get3A_287 = arith.constant 8 : i32
      %get3A_288 = arith.index_cast %get3A_287 : i32 to index
      %get3A_289 = arith.index_cast %add3A_220 : i32 to index
      %get3A_290 = tpu.vector_load %arg5[%get3A_288, %get3A_289] {strides = array<i32>} : memref<20x512xi32, #tpu.memory_space<vmem>>, vector<1x16xi32>,
      %get3A_291 = vector.shape_cast %get3A_290 : vector<1x16xi32> to vector<16xi32>
      %shift_left3A_292 = arith.constant 8 : i32
      %shift_left3A_293 = vector.broadcast %shift_left3A_292 : i32 to vector<16xi32>
      %shift_left3A_294 = arith.shli %get3A_291, %shift_left3A_293 : vector<16xi32>
      %add3A_295 = arith.addi %add3A_286, %shift_left3A_294 : vector<16xi32>
      %get3A_296 = arith.constant 9 : i32
      %get3A_297 = arith.index_cast %get3A_296 : i32 to index
      %get3A_298 = arith.index_cast %add3A_220 : i32 to index
      %get3A_299 = tpu.vector_load %arg5[%get3A_297, %get3A_298] {strides = array<i32>} : memref<20x512xi32, #tpu.memory_space<vmem>>, vector<1x16xi32>,
      %get3A_300 = vector.shape_cast %get3A_299 : vector<1x16xi32> to vector<16xi32>
      %shift_left3A_301 = arith.constant 9 : i32
      %shift_left3A_302 = vector.broadcast %shift_left3A_301 : i32 to vector<16xi32>
      %shift_left3A_303 = arith.shli %get3A_300, %shift_left3A_302 : vector<16xi32>
      %add3A_304 = arith.addi %add3A_295, %shift_left3A_303 : vector<16xi32>
      %get3A_305 = arith.constant 10 : i32
      %get3A_306 = arith.index_cast %get3A_305 : i32 to index
      %get3A_307 = arith.index_cast %add3A_220 : i32 to index
      %get3A_308 = tpu.vector_load %arg5[%get3A_306, %get3A_307] {strides = array<i32>} : memref<20x512xi32, #tpu.memory_space<vmem>>, vector<1x16xi32>,
      %get3A_309 = vector.shape_cast %get3A_308 : vector<1x16xi32> to vector<16xi32>
      %shift_left3A_310 = arith.constant 10 : i32
      %shift_left3A_311 = vector.broadcast %shift_left3A_310 : i32 to vector<16xi32>
      %shift_left3A_312 = arith.shli %get3A_309, %shift_left3A_311 : vector<16xi32>
      %add3A_313 = arith.addi %add3A_304, %shift_left3A_312 : vector<16xi32>
      %get3A_314 = arith.constant 11 : i32
      %get3A_315 = arith.index_cast %get3A_314 : i32 to index
      %get3A_316 = arith.index_cast %add3A_220 : i32 to index
      %get3A_317 = tpu.vector_load %arg5[%get3A_315, %get3A_316] {strides = array<i32>} : memref<20x512xi32, #tpu.memory_space<vmem>>, vector<1x16xi32>,
      %get3A_318 = vector.shape_cast %get3A_317 : vector<1x16xi32> to vector<16xi32>
      %shift_left3A_319 = arith.constant 11 : i32
      %shift_left3A_320 = vector.broadcast %shift_left3A_319 : i32 to vector<16xi32>
      %shift_left3A_321 = arith.shli %get3A_318, %shift_left3A_320 : vector<16xi32>
      %add3A_322 = arith.addi %add3A_313, %shift_left3A_321 : vector<16xi32>
      %get3A_323 = arith.constant 12 : i32
      %get3A_324 = arith.index_cast %get3A_323 : i32 to index
      %get3A_325 = arith.index_cast %add3A_220 : i32 to index
      %get3A_326 = tpu.vector_load %arg5[%get3A_324, %get3A_325] {strides = array<i32>} : memref<20x512xi32, #tpu.memory_space<vmem>>, vector<1x16xi32>,
      %get3A_327 = vector.shape_cast %get3A_326 : vector<1x16xi32> to vector<16xi32>
      %shift_left3A_328 = arith.constant 12 : i32
      %shift_left3A_329 = vector.broadcast %shift_left3A_328 : i32 to vector<16xi32>
      %shift_left3A_330 = arith.shli %get3A_327, %shift_left3A_329 : vector<16xi32>
      %add3A_331 = arith.addi %add3A_322, %shift_left3A_330 : vector<16xi32>
      %get3A_332 = arith.constant 13 : i32
      %get3A_333 = arith.index_cast %get3A_332 : i32 to index
      %get3A_334 = arith.index_cast %add3A_220 : i32 to index
      %get3A_335 = tpu.vector_load %arg5[%get3A_333, %get3A_334] {strides = array<i32>} : memref<20x512xi32, #tpu.memory_space<vmem>>, vector<1x16xi32>,
      %get3A_336 = vector.shape_cast %get3A_335 : vector<1x16xi32> to vector<16xi32>
      %shift_left3A_337 = arith.constant 13 : i32
      %shift_left3A_338 = vector.broadcast %shift_left3A_337 : i32 to vector<16xi32>
      %shift_left3A_339 = arith.shli %get3A_336, %shift_left3A_338 : vector<16xi32>
      %add3A_340 = arith.addi %add3A_331, %shift_left3A_339 : vector<16xi32>
      %get3A_341 = arith.constant 14 : i32
      %get3A_342 = arith.index_cast %get3A_341 : i32 to index
      %get3A_343 = arith.index_cast %add3A_220 : i32 to index
      %get3A_344 = tpu.vector_load %arg5[%get3A_342, %get3A_343] {strides = array<i32>} : memref<20x512xi32, #tpu.memory_space<vmem>>, vector<1x16xi32>,
      %get3A_345 = vector.shape_cast %get3A_344 : vector<1x16xi32> to vector<16xi32>
      %shift_left3A_346 = arith.constant 14 : i32
      %shift_left3A_347 = vector.broadcast %shift_left3A_346 : i32 to vector<16xi32>
      %shift_left3A_348 = arith.shli %get3A_345, %shift_left3A_347 : vector<16xi32>
      %add3A_349 = arith.addi %add3A_340, %shift_left3A_348 : vector<16xi32>
      %get3A_350 = arith.constant 15 : i32
      %get3A_351 = arith.index_cast %get3A_350 : i32 to index
      %get3A_352 = arith.index_cast %add3A_220 : i32 to index
      %get3A_353 = tpu.vector_load %arg5[%get3A_351, %get3A_352] {strides = array<i32>} : memref<20x512xi32, #tpu.memory_space<vmem>>, vector<1x16xi32>,
      %get3A_354 = vector.shape_cast %get3A_353 : vector<1x16xi32> to vector<16xi32>
      %shift_left3A_355 = arith.constant 15 : i32
      %shift_left3A_356 = vector.broadcast %shift_left3A_355 : i32 to vector<16xi32>
      %shift_left3A_357 = arith.shli %get3A_354, %shift_left3A_356 : vector<16xi32>
      %add3A_358 = arith.addi %add3A_349, %shift_left3A_357 : vector<16xi32>
      %get3A_359 = arith.constant 16 : i32
      %get3A_360 = arith.index_cast %get3A_359 : i32 to index
      %get3A_361 = arith.index_cast %add3A_220 : i32 to index
      %get3A_362 = tpu.vector_load %arg5[%get3A_360, %get3A_361] {strides = array<i32>} : memref<20x512xi32, #tpu.memory_space<vmem>>, vector<1x16xi32>,
      %get3A_363 = vector.shape_cast %get3A_362 : vector<1x16xi32> to vector<16xi32>
      %shift_left3A_364 = arith.constant 16 : i32
      %shift_left3A_365 = vector.broadcast %shift_left3A_364 : i32 to vector<16xi32>
      %shift_left3A_366 = arith.shli %get3A_363, %shift_left3A_365 : vector<16xi32>
      %add3A_367 = arith.addi %add3A_358, %shift_left3A_366 : vector<16xi32>
      %get3A_368 = arith.constant 17 : i32
      %get3A_369 = arith.index_cast %get3A_368 : i32 to index
      %get3A_370 = arith.index_cast %add3A_220 : i32 to index
      %get3A_371 = tpu.vector_load %arg5[%get3A_369, %get3A_370] {strides = array<i32>} : memref<20x512xi32, #tpu.memory_space<vmem>>, vector<1x16xi32>,
      %get3A_372 = vector.shape_cast %get3A_371 : vector<1x16xi32> to vector<16xi32>
      %shift_left3A_373 = arith.constant 17 : i32
      %shift_left3A_374 = vector.broadcast %shift_left3A_373 : i32 to vector<16xi32>
      %shift_left3A_375 = arith.shli %get3A_372, %shift_left3A_374 : vector<16xi32>
      %add3A_376 = arith.addi %add3A_367, %shift_left3A_375 : vector<16xi32>
      %get3A_377 = arith.constant 18 : i32
      %get3A_378 = arith.index_cast %get3A_377 : i32 to index
      %get3A_379 = arith.index_cast %add3A_220 : i32 to index
      %get3A_380 = tpu.vector_load %arg5[%get3A_378, %get3A_379] {strides = array<i32>} : memref<20x512xi32, #tpu.memory_space<vmem>>, vector<1x16xi32>,
      %get3A_381 = vector.shape_cast %get3A_380 : vector<1x16xi32> to vector<16xi32>
      %shift_left3A_382 = arith.constant 18 : i32
      %shift_left3A_383 = vector.broadcast %shift_left3A_382 : i32 to vector<16xi32>
      %shift_left3A_384 = arith.shli %get3A_381, %shift_left3A_383 : vector<16xi32>
      %add3A_385 = arith.addi %add3A_376, %shift_left3A_384 : vector<16xi32>
      %get3A_386 = arith.constant 19 : i32
      %get3A_387 = arith.index_cast %get3A_386 : i32 to index
      %get3A_388 = arith.index_cast %add3A_220 : i32 to index
      %get3A_389 = tpu.vector_load %arg5[%get3A_387, %get3A_388] {strides = array<i32>} : memref<20x512xi32, #tpu.memory_space<vmem>>, vector<1x16xi32>,
      %get3A_390 = vector.shape_cast %get3A_389 : vector<1x16xi32> to vector<16xi32>
      %shift_left3A_391 = arith.constant 19 : i32
      %shift_left3A_392 = vector.broadcast %shift_left3A_391 : i32 to vector<16xi32>
      %shift_left3A_393 = arith.shli %get3A_390, %shift_left3A_392 : vector<16xi32>
      %add3A_394 = arith.addi %add3A_385, %shift_left3A_393 : vector<16xi32>
      %mul3A_395 = arith.constant 16 : i32
      %mul3A_396 = arith.muli %scan3A_216, %mul3A_395 : i32
      %swap3A = arith.constant 0 : i32
      %swap3A_397 = arith.index_cast %swap3A : i32 to index
      %swap3A_398 = arith.index_cast %mul3A_396 : i32 to index
      %swap3A_399 = tpu.vector_load %arg6[%swap3A_397, %swap3A_398] {strides = array<i32>} : memref<4x128xi32, #tpu.memory_space<vmem>>, vector<1x16xi32>,
      %swap3A_400 = vector.shape_cast %swap3A_399 : vector<1x16xi32> to vector<16xi32>
      %swap3A_401 = vector.shape_cast %add3A_394 : vector<16xi32> to vector<1x16xi32>
      tpu.vector_store %arg6[%swap3A_397, %swap3A_398], %swap3A_401 {strides = array<i32>} : memref<4x128xi32, #tpu.memory_space<vmem>>, vector<1x16xi32>,
    }
    %scan3A_63 = arith.constant 8 : i32
    %dma_start3A_64 = arith.constant 0 : i32
    %dma_start3A_65 = arith.constant 0 : i32
    %dma_start3A_66 = arith.constant 0 : i32
    %dma_start3A_67 = tpu.memref_slice %arg7[%dma_start3A_65, %dma_start3A_66] : memref<4x128xf32, #tpu.memory_space<vmem>> -> memref<1x128xf32, #tpu.memory_space<vmem>>
    %dma_start3A_68 = tpu.memref_squeeze %dma_start3A_67 : memref<1x128xf32, #tpu.memory_space<vmem>> -> memref<128xf32, #tpu.memory_space<vmem>>
    %dma_start3A_69 = arith.constant 0 : i32
    %dma_start3A_70 = tpu.memref_slice %arg6[%dma_start3A_64, %dma_start3A_69] : memref<4x128xi32, #tpu.memory_space<vmem>> -> memref<1x128xi32, #tpu.memory_space<vmem>>
    %dma_start3A_71 = tpu.memref_squeeze %dma_start3A_70 : memref<1x128xi32, #tpu.memory_space<vmem>> -> memref<128xi32, #tpu.memory_space<vmem>>
    %dma_start3A_72 = arith.constant 0 : i32
    %dma_start3A_73 = tpu.memref_slice %arg3[%dma_start3A_72] : memref<1048576xf32, #tpu.memory_space<hbm>> -> memref<1048576xf32, #tpu.memory_space<hbm>>
    tpu.enqueue_indirect_dma source(%dma_start3A_73 : memref<1048576xf32, #tpu.memory_space<hbm>>) target(%dma_start3A_68 : memref<128xf32, #tpu.memory_space<vmem>>) offsets(%dma_start3A_71 : memref<128xi32, #tpu.memory_space<vmem>>) semaphore(%arg10 : memref<!tpu.dma_semaphore, #tpu.memory_space<semaphore_mem>>)
    %dma_wait3A_74 = arith.constant 0 : i32
    %dma_wait3A_75 = arith.constant 128 : i32
    %dma_wait3A_76 = tpu.memref_slice %arg5[%dma_wait3A_74, %dma_wait3A_75] : memref<20x512xi32, #tpu.memory_space<vmem>> -> memref<20x128xi32, #tpu.memory_space<vmem>>
    %dma_wait3A_77 = arith.constant 0 : i32
    %dma_wait3A_78 = tpu.memref_slice %arg2[%dma_wait3A_77, %add3A_15] : memref<20x16384xi32, #tpu.memory_space<hbm>> -> memref<20x128xi32, #tpu.memory_space<hbm>>
    %dma_wait3A_79 = arith.constant 0 : i32
    %dma_wait3A_80 = arith.constant 128 : i32
    %dma_wait3A_81 = tpu.memref_slice %arg5[%dma_wait3A_79, %dma_wait3A_80] : memref<20x512xi32, #tpu.memory_space<vmem>> -> memref<20x128xi32, #tpu.memory_space<vmem>>
    %dma_wait3A_82 = arith.constant 0 : i32
    %dma_wait3A_83 = tpu.memref_slice %arg2[%dma_wait3A_82, %add3A_15] : memref<20x16384xi32, #tpu.memory_space<hbm>> -> memref<20x128xi32, #tpu.memory_space<hbm>>
    tpu.wait_dma2 semaphore(%arg9 : memref<!tpu.dma_semaphore, #tpu.memory_space<semaphore_mem>>) src(%dma_wait3A_83 : memref<20x128xi32, #tpu.memory_space<hbm>>) dst(%dma_wait3A_81 : memref<20x128xi32, #tpu.memory_space<vmem>>)
    %scan3A_84 = arith.constant 0 : i32
    %scan3A_85 = arith.constant 0 : i32
    %scan3A_86 = arith.constant 8 : i32
    %scan3A_87 = arith.addi %scan3A_85, %scan3A_86 : i32
    %scan3A_88 = arith.constant 1 : i32
    scf.for %scan3A_216 = %scan3A_85 to %scan3A_87 step %scan3A_88  : i32 {
      %mul3A_217 = arith.constant 16 : i32
      %mul3A_218 = arith.muli %scan3A_216, %mul3A_217 : i32
      %add3A_219 = arith.constant 128 : i32
      %add3A_220 = arith.addi %add3A_219, %mul3A_218 : i32
      %get3A = arith.constant 0 : i32
      %get3A_221 = arith.index_cast %get3A : i32 to index
      %get3A_222 = arith.index_cast %add3A_220 : i32 to index
      %get3A_223 = tpu.vector_load %arg5[%get3A_221, %get3A_222] {strides = array<i32>} : memref<20x512xi32, #tpu.memory_space<vmem>>, vector<1x16xi32>,
      %get3A_224 = vector.shape_cast %get3A_223 : vector<1x16xi32> to vector<16xi32>
      %get3A_225 = arith.constant 1 : i32
      %get3A_226 = arith.index_cast %get3A_225 : i32 to index
      %get3A_227 = arith.index_cast %add3A_220 : i32 to index
      %get3A_228 = tpu.vector_load %arg5[%get3A_226, %get3A_227] {strides = array<i32>} : memref<20x512xi32, #tpu.memory_space<vmem>>, vector<1x16xi32>,
      %get3A_229 = vector.shape_cast %get3A_228 : vector<1x16xi32> to vector<16xi32>
      %shift_left3A = arith.constant 1 : i32
      %shift_left3A_230 = vector.broadcast %shift_left3A : i32 to vector<16xi32>
      %shift_left3A_231 = arith.shli %get3A_229, %shift_left3A_230 : vector<16xi32>
      %add3A_232 = arith.addi %get3A_224, %shift_left3A_231 : vector<16xi32>
      %get3A_233 = arith.constant 2 : i32
      %get3A_234 = arith.index_cast %get3A_233 : i32 to index
      %get3A_235 = arith.index_cast %add3A_220 : i32 to index
      %get3A_236 = tpu.vector_load %arg5[%get3A_234, %get3A_235] {strides = array<i32>} : memref<20x512xi32, #tpu.memory_space<vmem>>, vector<1x16xi32>,
      %get3A_237 = vector.shape_cast %get3A_236 : vector<1x16xi32> to vector<16xi32>
      %shift_left3A_238 = arith.constant 2 : i32
      %shift_left3A_239 = vector.broadcast %shift_left3A_238 : i32 to vector<16xi32>
      %shift_left3A_240 = arith.shli %get3A_237, %shift_left3A_239 : vector<16xi32>
      %add3A_241 = arith.addi %add3A_232, %shift_left3A_240 : vector<16xi32>
      %get3A_242 = arith.constant 3 : i32
      %get3A_243 = arith.index_cast %get3A_242 : i32 to index
      %get3A_244 = arith.index_cast %add3A_220 : i32 to index
      %get3A_245 = tpu.vector_load %arg5[%get3A_243, %get3A_244] {strides = array<i32>} : memref<20x512xi32, #tpu.memory_space<vmem>>, vector<1x16xi32>,
      %get3A_246 = vector.shape_cast %get3A_245 : vector<1x16xi32> to vector<16xi32>
      %shift_left3A_247 = arith.constant 3 : i32
      %shift_left3A_248 = vector.broadcast %shift_left3A_247 : i32 to vector<16xi32>
      %shift_left3A_249 = arith.shli %get3A_246, %shift_left3A_248 : vector<16xi32>
      %add3A_250 = arith.addi %add3A_241, %shift_left3A_249 : vector<16xi32>
      %get3A_251 = arith.constant 4 : i32
      %get3A_252 = arith.index_cast %get3A_251 : i32 to index
      %get3A_253 = arith.index_cast %add3A_220 : i32 to index
      %get3A_254 = tpu.vector_load %arg5[%get3A_252, %get3A_253] {strides = array<i32>} : memref<20x512xi32, #tpu.memory_space<vmem>>, vector<1x16xi32>,
      %get3A_255 = vector.shape_cast %get3A_254 : vector<1x16xi32> to vector<16xi32>
      %shift_left3A_256 = arith.constant 4 : i32
      %shift_left3A_257 = vector.broadcast %shift_left3A_256 : i32 to vector<16xi32>
      %shift_left3A_258 = arith.shli %get3A_255, %shift_left3A_257 : vector<16xi32>
      %add3A_259 = arith.addi %add3A_250, %shift_left3A_258 : vector<16xi32>
      %get3A_260 = arith.constant 5 : i32
      %get3A_261 = arith.index_cast %get3A_260 : i32 to index
      %get3A_262 = arith.index_cast %add3A_220 : i32 to index
      %get3A_263 = tpu.vector_load %arg5[%get3A_261, %get3A_262] {strides = array<i32>} : memref<20x512xi32, #tpu.memory_space<vmem>>, vector<1x16xi32>,
      %get3A_264 = vector.shape_cast %get3A_263 : vector<1x16xi32> to vector<16xi32>
      %shift_left3A_265 = arith.constant 5 : i32
      %shift_left3A_266 = vector.broadcast %shift_left3A_265 : i32 to vector<16xi32>
      %shift_left3A_267 = arith.shli %get3A_264, %shift_left3A_266 : vector<16xi32>
      %add3A_268 = arith.addi %add3A_259, %shift_left3A_267 : vector<16xi32>
      %get3A_269 = arith.constant 6 : i32
      %get3A_270 = arith.index_cast %get3A_269 : i32 to index
      %get3A_271 = arith.index_cast %add3A_220 : i32 to index
      %get3A_272 = tpu.vector_load %arg5[%get3A_270, %get3A_271] {strides = array<i32>} : memref<20x512xi32, #tpu.memory_space<vmem>>, vector<1x16xi32>,
      %get3A_273 = vector.shape_cast %get3A_272 : vector<1x16xi32> to vector<16xi32>
      %shift_left3A_274 = arith.constant 6 : i32
      %shift_left3A_275 = vector.broadcast %shift_left3A_274 : i32 to vector<16xi32>
      %shift_left3A_276 = arith.shli %get3A_273, %shift_left3A_275 : vector<16xi32>
      %add3A_277 = arith.addi %add3A_268, %shift_left3A_276 : vector<16xi32>
      %get3A_278 = arith.constant 7 : i32
      %get3A_279 = arith.index_cast %get3A_278 : i32 to index
      %get3A_280 = arith.index_cast %add3A_220 : i32 to index
      %get3A_281 = tpu.vector_load %arg5[%get3A_279, %get3A_280] {strides = array<i32>} : memref<20x512xi32, #tpu.memory_space<vmem>>, vector<1x16xi32>,
      %get3A_282 = vector.shape_cast %get3A_281 : vector<1x16xi32> to vector<16xi32>
      %shift_left3A_283 = arith.constant 7 : i32
      %shift_left3A_284 = vector.broadcast %shift_left3A_283 : i32 to vector<16xi32>
      %shift_left3A_285 = arith.shli %get3A_282, %shift_left3A_284 : vector<16xi32>
      %add3A_286 = arith.addi %add3A_277, %shift_left3A_285 : vector<16xi32>
      %get3A_287 = arith.constant 8 : i32
      %get3A_288 = arith.index_cast %get3A_287 : i32 to index
      %get3A_289 = arith.index_cast %add3A_220 : i32 to index
      %get3A_290 = tpu.vector_load %arg5[%get3A_288, %get3A_289] {strides = array<i32>} : memref<20x512xi32, #tpu.memory_space<vmem>>, vector<1x16xi32>,
      %get3A_291 = vector.shape_cast %get3A_290 : vector<1x16xi32> to vector<16xi32>
      %shift_left3A_292 = arith.constant 8 : i32
      %shift_left3A_293 = vector.broadcast %shift_left3A_292 : i32 to vector<16xi32>
      %shift_left3A_294 = arith.shli %get3A_291, %shift_left3A_293 : vector<16xi32>
      %add3A_295 = arith.addi %add3A_286, %shift_left3A_294 : vector<16xi32>
      %get3A_296 = arith.constant 9 : i32
      %get3A_297 = arith.index_cast %get3A_296 : i32 to index
      %get3A_298 = arith.index_cast %add3A_220 : i32 to index
      %get3A_299 = tpu.vector_load %arg5[%get3A_297, %get3A_298] {strides = array<i32>} : memref<20x512xi32, #tpu.memory_space<vmem>>, vector<1x16xi32>,
      %get3A_300 = vector.shape_cast %get3A_299 : vector<1x16xi32> to vector<16xi32>
      %shift_left3A_301 = arith.constant 9 : i32
      %shift_left3A_302 = vector.broadcast %shift_left3A_301 : i32 to vector<16xi32>
      %shift_left3A_303 = arith.shli %get3A_300, %shift_left3A_302 : vector<16xi32>
      %add3A_304 = arith.addi %add3A_295, %shift_left3A_303 : vector<16xi32>
      %get3A_305 = arith.constant 10 : i32
      %get3A_306 = arith.index_cast %get3A_305 : i32 to index
      %get3A_307 = arith.index_cast %add3A_220 : i32 to index
      %get3A_308 = tpu.vector_load %arg5[%get3A_306, %get3A_307] {strides = array<i32>} : memref<20x512xi32, #tpu.memory_space<vmem>>, vector<1x16xi32>,
      %get3A_309 = vector.shape_cast %get3A_308 : vector<1x16xi32> to vector<16xi32>
      %shift_left3A_310 = arith.constant 10 : i32
      %shift_left3A_311 = vector.broadcast %shift_left3A_310 : i32 to vector<16xi32>
      %shift_left3A_312 = arith.shli %get3A_309, %shift_left3A_311 : vector<16xi32>
      %add3A_313 = arith.addi %add3A_304, %shift_left3A_312 : vector<16xi32>
      %get3A_314 = arith.constant 11 : i32
      %get3A_315 = arith.index_cast %get3A_314 : i32 to index
      %get3A_316 = arith.index_cast %add3A_220 : i32 to index
      %get3A_317 = tpu.vector_load %arg5[%get3A_315, %get3A_316] {strides = array<i32>} : memref<20x512xi32, #tpu.memory_space<vmem>>, vector<1x16xi32>,
      %get3A_318 = vector.shape_cast %get3A_317 : vector<1x16xi32> to vector<16xi32>
      %shift_left3A_319 = arith.constant 11 : i32
      %shift_left3A_320 = vector.broadcast %shift_left3A_319 : i32 to vector<16xi32>
      %shift_left3A_321 = arith.shli %get3A_318, %shift_left3A_320 : vector<16xi32>
      %add3A_322 = arith.addi %add3A_313, %shift_left3A_321 : vector<16xi32>
      %get3A_323 = arith.constant 12 : i32
      %get3A_324 = arith.index_cast %get3A_323 : i32 to index
      %get3A_325 = arith.index_cast %add3A_220 : i32 to index
      %get3A_326 = tpu.vector_load %arg5[%get3A_324, %get3A_325] {strides = array<i32>} : memref<20x512xi32, #tpu.memory_space<vmem>>, vector<1x16xi32>,
      %get3A_327 = vector.shape_cast %get3A_326 : vector<1x16xi32> to vector<16xi32>
      %shift_left3A_328 = arith.constant 12 : i32
      %shift_left3A_329 = vector.broadcast %shift_left3A_328 : i32 to vector<16xi32>
      %shift_left3A_330 = arith.shli %get3A_327, %shift_left3A_329 : vector<16xi32>
      %add3A_331 = arith.addi %add3A_322, %shift_left3A_330 : vector<16xi32>
      %get3A_332 = arith.constant 13 : i32
      %get3A_333 = arith.index_cast %get3A_332 : i32 to index
      %get3A_334 = arith.index_cast %add3A_220 : i32 to index
      %get3A_335 = tpu.vector_load %arg5[%get3A_333, %get3A_334] {strides = array<i32>} : memref<20x512xi32, #tpu.memory_space<vmem>>, vector<1x16xi32>,
      %get3A_336 = vector.shape_cast %get3A_335 : vector<1x16xi32> to vector<16xi32>
      %shift_left3A_337 = arith.constant 13 : i32
      %shift_left3A_338 = vector.broadcast %shift_left3A_337 : i32 to vector<16xi32>
      %shift_left3A_339 = arith.shli %get3A_336, %shift_left3A_338 : vector<16xi32>
      %add3A_340 = arith.addi %add3A_331, %shift_left3A_339 : vector<16xi32>
      %get3A_341 = arith.constant 14 : i32
      %get3A_342 = arith.index_cast %get3A_341 : i32 to index
      %get3A_343 = arith.index_cast %add3A_220 : i32 to index
      %get3A_344 = tpu.vector_load %arg5[%get3A_342, %get3A_343] {strides = array<i32>} : memref<20x512xi32, #tpu.memory_space<vmem>>, vector<1x16xi32>,
      %get3A_345 = vector.shape_cast %get3A_344 : vector<1x16xi32> to vector<16xi32>
      %shift_left3A_346 = arith.constant 14 : i32
      %shift_left3A_347 = vector.broadcast %shift_left3A_346 : i32 to vector<16xi32>
      %shift_left3A_348 = arith.shli %get3A_345, %shift_left3A_347 : vector<16xi32>
      %add3A_349 = arith.addi %add3A_340, %shift_left3A_348 : vector<16xi32>
      %get3A_350 = arith.constant 15 : i32
      %get3A_351 = arith.index_cast %get3A_350 : i32 to index
      %get3A_352 = arith.index_cast %add3A_220 : i32 to index
      %get3A_353 = tpu.vector_load %arg5[%get3A_351, %get3A_352] {strides = array<i32>} : memref<20x512xi32, #tpu.memory_space<vmem>>, vector<1x16xi32>,
      %get3A_354 = vector.shape_cast %get3A_353 : vector<1x16xi32> to vector<16xi32>
      %shift_left3A_355 = arith.constant 15 : i32
      %shift_left3A_356 = vector.broadcast %shift_left3A_355 : i32 to vector<16xi32>
      %shift_left3A_357 = arith.shli %get3A_354, %shift_left3A_356 : vector<16xi32>
      %add3A_358 = arith.addi %add3A_349, %shift_left3A_357 : vector<16xi32>
      %get3A_359 = arith.constant 16 : i32
      %get3A_360 = arith.index_cast %get3A_359 : i32 to index
      %get3A_361 = arith.index_cast %add3A_220 : i32 to index
      %get3A_362 = tpu.vector_load %arg5[%get3A_360, %get3A_361] {strides = array<i32>} : memref<20x512xi32, #tpu.memory_space<vmem>>, vector<1x16xi32>,
      %get3A_363 = vector.shape_cast %get3A_362 : vector<1x16xi32> to vector<16xi32>
      %shift_left3A_364 = arith.constant 16 : i32
      %shift_left3A_365 = vector.broadcast %shift_left3A_364 : i32 to vector<16xi32>
      %shift_left3A_366 = arith.shli %get3A_363, %shift_left3A_365 : vector<16xi32>
      %add3A_367 = arith.addi %add3A_358, %shift_left3A_366 : vector<16xi32>
      %get3A_368 = arith.constant 17 : i32
      %get3A_369 = arith.index_cast %get3A_368 : i32 to index
      %get3A_370 = arith.index_cast %add3A_220 : i32 to index
      %get3A_371 = tpu.vector_load %arg5[%get3A_369, %get3A_370] {strides = array<i32>} : memref<20x512xi32, #tpu.memory_space<vmem>>, vector<1x16xi32>,
      %get3A_372 = vector.shape_cast %get3A_371 : vector<1x16xi32> to vector<16xi32>
      %shift_left3A_373 = arith.constant 17 : i32
      %shift_left3A_374 = vector.broadcast %shift_left3A_373 : i32 to vector<16xi32>
      %shift_left3A_375 = arith.shli %get3A_372, %shift_left3A_374 : vector<16xi32>
      %add3A_376 = arith.addi %add3A_367, %shift_left3A_375 : vector<16xi32>
      %get3A_377 = arith.constant 18 : i32
      %get3A_378 = arith.index_cast %get3A_377 : i32 to index
      %get3A_379 = arith.index_cast %add3A_220 : i32 to index
      %get3A_380 = tpu.vector_load %arg5[%get3A_378, %get3A_379] {strides = array<i32>} : memref<20x512xi32, #tpu.memory_space<vmem>>, vector<1x16xi32>,
      %get3A_381 = vector.shape_cast %get3A_380 : vector<1x16xi32> to vector<16xi32>
      %shift_left3A_382 = arith.constant 18 : i32
      %shift_left3A_383 = vector.broadcast %shift_left3A_382 : i32 to vector<16xi32>
      %shift_left3A_384 = arith.shli %get3A_381, %shift_left3A_383 : vector<16xi32>
      %add3A_385 = arith.addi %add3A_376, %shift_left3A_384 : vector<16xi32>
      %get3A_386 = arith.constant 19 : i32
      %get3A_387 = arith.index_cast %get3A_386 : i32 to index
      %get3A_388 = arith.index_cast %add3A_220 : i32 to index
      %get3A_389 = tpu.vector_load %arg5[%get3A_387, %get3A_388] {strides = array<i32>} : memref<20x512xi32, #tpu.memory_space<vmem>>, vector<1x16xi32>,
      %get3A_390 = vector.shape_cast %get3A_389 : vector<1x16xi32> to vector<16xi32>
      %shift_left3A_391 = arith.constant 19 : i32
      %shift_left3A_392 = vector.broadcast %shift_left3A_391 : i32 to vector<16xi32>
      %shift_left3A_393 = arith.shli %get3A_390, %shift_left3A_392 : vector<16xi32>
      %add3A_394 = arith.addi %add3A_385, %shift_left3A_393 : vector<16xi32>
      %mul3A_395 = arith.constant 16 : i32
      %mul3A_396 = arith.muli %scan3A_216, %mul3A_395 : i32
      %swap3A = arith.constant 1 : i32
      %swap3A_397 = arith.index_cast %swap3A : i32 to index
      %swap3A_398 = arith.index_cast %mul3A_396 : i32 to index
      %swap3A_399 = tpu.vector_load %arg6[%swap3A_397, %swap3A_398] {strides = array<i32>} : memref<4x128xi32, #tpu.memory_space<vmem>>, vector<1x16xi32>,
      %swap3A_400 = vector.shape_cast %swap3A_399 : vector<1x16xi32> to vector<16xi32>
      %swap3A_401 = vector.shape_cast %add3A_394 : vector<16xi32> to vector<1x16xi32>
      tpu.vector_store %arg6[%swap3A_397, %swap3A_398], %swap3A_401 {strides = array<i32>} : memref<4x128xi32, #tpu.memory_space<vmem>>, vector<1x16xi32>,
    }
    %scan3A_89 = arith.constant 8 : i32
    %dma_start3A_90 = arith.constant 1 : i32
    %dma_start3A_91 = arith.constant 1 : i32
    %dma_start3A_92 = arith.constant 0 : i32
    %dma_start3A_93 = tpu.memref_slice %arg7[%dma_start3A_91, %dma_start3A_92] : memref<4x128xf32, #tpu.memory_space<vmem>> -> memref<1x128xf32, #tpu.memory_space<vmem>>
    %dma_start3A_94 = tpu.memref_squeeze %dma_start3A_93 : memref<1x128xf32, #tpu.memory_space<vmem>> -> memref<128xf32, #tpu.memory_space<vmem>>
    %dma_start3A_95 = arith.constant 0 : i32
    %dma_start3A_96 = tpu.memref_slice %arg6[%dma_start3A_90, %dma_start3A_95] : memref<4x128xi32, #tpu.memory_space<vmem>> -> memref<1x128xi32, #tpu.memory_space<vmem>>
    %dma_start3A_97 = tpu.memref_squeeze %dma_start3A_96 : memref<1x128xi32, #tpu.memory_space<vmem>> -> memref<128xi32, #tpu.memory_space<vmem>>
    %dma_start3A_98 = arith.constant 0 : i32
    %dma_start3A_99 = tpu.memref_slice %arg3[%dma_start3A_98] : memref<1048576xf32, #tpu.memory_space<hbm>> -> memref<1048576xf32, #tpu.memory_space<hbm>>
    tpu.enqueue_indirect_dma source(%dma_start3A_99 : memref<1048576xf32, #tpu.memory_space<hbm>>) target(%dma_start3A_94 : memref<128xf32, #tpu.memory_space<vmem>>) offsets(%dma_start3A_97 : memref<128xi32, #tpu.memory_space<vmem>>) semaphore(%arg10 : memref<!tpu.dma_semaphore, #tpu.memory_space<semaphore_mem>>)
    %dma_wait3A_100 = arith.constant 0 : i32
    %dma_wait3A_101 = arith.constant 256 : i32
    %dma_wait3A_102 = tpu.memref_slice %arg5[%dma_wait3A_100, %dma_wait3A_101] : memref<20x512xi32, #tpu.memory_space<vmem>> -> memref<20x128xi32, #tpu.memory_space<vmem>>
    %dma_wait3A_103 = arith.constant 0 : i32
    %dma_wait3A_104 = tpu.memref_slice %arg2[%dma_wait3A_103, %add3A_27] : memref<20x16384xi32, #tpu.memory_space<hbm>> -> memref<20x128xi32, #tpu.memory_space<hbm>>
    %dma_wait3A_105 = arith.constant 0 : i32
    %dma_wait3A_106 = arith.constant 256 : i32
    %dma_wait3A_107 = tpu.memref_slice %arg5[%dma_wait3A_105, %dma_wait3A_106] : memref<20x512xi32, #tpu.memory_space<vmem>> -> memref<20x128xi32, #tpu.memory_space<vmem>>
    %dma_wait3A_108 = arith.constant 0 : i32
    %dma_wait3A_109 = tpu.memref_slice %arg2[%dma_wait3A_108, %add3A_27] : memref<20x16384xi32, #tpu.memory_space<hbm>> -> memref<20x128xi32, #tpu.memory_space<hbm>>
    tpu.wait_dma2 semaphore(%arg9 : memref<!tpu.dma_semaphore, #tpu.memory_space<semaphore_mem>>) src(%dma_wait3A_109 : memref<20x128xi32, #tpu.memory_space<hbm>>) dst(%dma_wait3A_107 : memref<20x128xi32, #tpu.memory_space<vmem>>)
    %scan3A_110 = arith.constant 0 : i32
    %scan3A_111 = arith.constant 0 : i32
    %scan3A_112 = arith.constant 8 : i32
    %scan3A_113 = arith.addi %scan3A_111, %scan3A_112 : i32
    %scan3A_114 = arith.constant 1 : i32
    scf.for %scan3A_216 = %scan3A_111 to %scan3A_113 step %scan3A_114  : i32 {
      %mul3A_217 = arith.constant 16 : i32
      %mul3A_218 = arith.muli %scan3A_216, %mul3A_217 : i32
      %add3A_219 = arith.constant 256 : i32
      %add3A_220 = arith.addi %add3A_219, %mul3A_218 : i32
      %get3A = arith.constant 0 : i32
      %get3A_221 = arith.index_cast %get3A : i32 to index
      %get3A_222 = arith.index_cast %add3A_220 : i32 to index
      %get3A_223 = tpu.vector_load %arg5[%get3A_221, %get3A_222] {strides = array<i32>} : memref<20x512xi32, #tpu.memory_space<vmem>>, vector<1x16xi32>,
      %get3A_224 = vector.shape_cast %get3A_223 : vector<1x16xi32> to vector<16xi32>
      %get3A_225 = arith.constant 1 : i32
      %get3A_226 = arith.index_cast %get3A_225 : i32 to index
      %get3A_227 = arith.index_cast %add3A_220 : i32 to index
      %get3A_228 = tpu.vector_load %arg5[%get3A_226, %get3A_227] {strides = array<i32>} : memref<20x512xi32, #tpu.memory_space<vmem>>, vector<1x16xi32>,
      %get3A_229 = vector.shape_cast %get3A_228 : vector<1x16xi32> to vector<16xi32>
      %shift_left3A = arith.constant 1 : i32
      %shift_left3A_230 = vector.broadcast %shift_left3A : i32 to vector<16xi32>
      %shift_left3A_231 = arith.shli %get3A_229, %shift_left3A_230 : vector<16xi32>
      %add3A_232 = arith.addi %get3A_224, %shift_left3A_231 : vector<16xi32>
      %get3A_233 = arith.constant 2 : i32
      %get3A_234 = arith.index_cast %get3A_233 : i32 to index
      %get3A_235 = arith.index_cast %add3A_220 : i32 to index
      %get3A_236 = tpu.vector_load %arg5[%get3A_234, %get3A_235] {strides = array<i32>} : memref<20x512xi32, #tpu.memory_space<vmem>>, vector<1x16xi32>,
      %get3A_237 = vector.shape_cast %get3A_236 : vector<1x16xi32> to vector<16xi32>
      %shift_left3A_238 = arith.constant 2 : i32
      %shift_left3A_239 = vector.broadcast %shift_left3A_238 : i32 to vector<16xi32>
      %shift_left3A_240 = arith.shli %get3A_237, %shift_left3A_239 : vector<16xi32>
      %add3A_241 = arith.addi %add3A_232, %shift_left3A_240 : vector<16xi32>
      %get3A_242 = arith.constant 3 : i32
      %get3A_243 = arith.index_cast %get3A_242 : i32 to index
      %get3A_244 = arith.index_cast %add3A_220 : i32 to index
      %get3A_245 = tpu.vector_load %arg5[%get3A_243, %get3A_244] {strides = array<i32>} : memref<20x512xi32, #tpu.memory_space<vmem>>, vector<1x16xi32>,
      %get3A_246 = vector.shape_cast %get3A_245 : vector<1x16xi32> to vector<16xi32>
      %shift_left3A_247 = arith.constant 3 : i32
      %shift_left3A_248 = vector.broadcast %shift_left3A_247 : i32 to vector<16xi32>
      %shift_left3A_249 = arith.shli %get3A_246, %shift_left3A_248 : vector<16xi32>
      %add3A_250 = arith.addi %add3A_241, %shift_left3A_249 : vector<16xi32>
      %get3A_251 = arith.constant 4 : i32
      %get3A_252 = arith.index_cast %get3A_251 : i32 to index
      %get3A_253 = arith.index_cast %add3A_220 : i32 to index
      %get3A_254 = tpu.vector_load %arg5[%get3A_252, %get3A_253] {strides = array<i32>} : memref<20x512xi32, #tpu.memory_space<vmem>>, vector<1x16xi32>,
      %get3A_255 = vector.shape_cast %get3A_254 : vector<1x16xi32> to vector<16xi32>
      %shift_left3A_256 = arith.constant 4 : i32
      %shift_left3A_257 = vector.broadcast %shift_left3A_256 : i32 to vector<16xi32>
      %shift_left3A_258 = arith.shli %get3A_255, %shift_left3A_257 : vector<16xi32>
      %add3A_259 = arith.addi %add3A_250, %shift_left3A_258 : vector<16xi32>
      %get3A_260 = arith.constant 5 : i32
      %get3A_261 = arith.index_cast %get3A_260 : i32 to index
      %get3A_262 = arith.index_cast %add3A_220 : i32 to index
      %get3A_263 = tpu.vector_load %arg5[%get3A_261, %get3A_262] {strides = array<i32>} : memref<20x512xi32, #tpu.memory_space<vmem>>, vector<1x16xi32>,
      %get3A_264 = vector.shape_cast %get3A_263 : vector<1x16xi32> to vector<16xi32>
      %shift_left3A_265 = arith.constant 5 : i32
      %shift_left3A_266 = vector.broadcast %shift_left3A_265 : i32 to vector<16xi32>
      %shift_left3A_267 = arith.shli %get3A_264, %shift_left3A_266 : vector<16xi32>
      %add3A_268 = arith.addi %add3A_259, %shift_left3A_267 : vector<16xi32>
      %get3A_269 = arith.constant 6 : i32
      %get3A_270 = arith.index_cast %get3A_269 : i32 to index
      %get3A_271 = arith.index_cast %add3A_220 : i32 to index
      %get3A_272 = tpu.vector_load %arg5[%get3A_270, %get3A_271] {strides = array<i32>} : memref<20x512xi32, #tpu.memory_space<vmem>>, vector<1x16xi32>,
      %get3A_273 = vector.shape_cast %get3A_272 : vector<1x16xi32> to vector<16xi32>
      %shift_left3A_274 = arith.constant 6 : i32
      %shift_left3A_275 = vector.broadcast %shift_left3A_274 : i32 to vector<16xi32>
      %shift_left3A_276 = arith.shli %get3A_273, %shift_left3A_275 : vector<16xi32>
      %add3A_277 = arith.addi %add3A_268, %shift_left3A_276 : vector<16xi32>
      %get3A_278 = arith.constant 7 : i32
      %get3A_279 = arith.index_cast %get3A_278 : i32 to index
      %get3A_280 = arith.index_cast %add3A_220 : i32 to index
      %get3A_281 = tpu.vector_load %arg5[%get3A_279, %get3A_280] {strides = array<i32>} : memref<20x512xi32, #tpu.memory_space<vmem>>, vector<1x16xi32>,
      %get3A_282 = vector.shape_cast %get3A_281 : vector<1x16xi32> to vector<16xi32>
      %shift_left3A_283 = arith.constant 7 : i32
      %shift_left3A_284 = vector.broadcast %shift_left3A_283 : i32 to vector<16xi32>
      %shift_left3A_285 = arith.shli %get3A_282, %shift_left3A_284 : vector<16xi32>
      %add3A_286 = arith.addi %add3A_277, %shift_left3A_285 : vector<16xi32>
      %get3A_287 = arith.constant 8 : i32
      %get3A_288 = arith.index_cast %get3A_287 : i32 to index
      %get3A_289 = arith.index_cast %add3A_220 : i32 to index
      %get3A_290 = tpu.vector_load %arg5[%get3A_288, %get3A_289] {strides = array<i32>} : memref<20x512xi32, #tpu.memory_space<vmem>>, vector<1x16xi32>,
      %get3A_291 = vector.shape_cast %get3A_290 : vector<1x16xi32> to vector<16xi32>
      %shift_left3A_292 = arith.constant 8 : i32
      %shift_left3A_293 = vector.broadcast %shift_left3A_292 : i32 to vector<16xi32>
      %shift_left3A_294 = arith.shli %get3A_291, %shift_left3A_293 : vector<16xi32>
      %add3A_295 = arith.addi %add3A_286, %shift_left3A_294 : vector<16xi32>
      %get3A_296 = arith.constant 9 : i32
      %get3A_297 = arith.index_cast %get3A_296 : i32 to index
      %get3A_298 = arith.index_cast %add3A_220 : i32 to index
      %get3A_299 = tpu.vector_load %arg5[%get3A_297, %get3A_298] {strides = array<i32>} : memref<20x512xi32, #tpu.memory_space<vmem>>, vector<1x16xi32>,
      %get3A_300 = vector.shape_cast %get3A_299 : vector<1x16xi32> to vector<16xi32>
      %shift_left3A_301 = arith.constant 9 : i32
      %shift_left3A_302 = vector.broadcast %shift_left3A_301 : i32 to vector<16xi32>
      %shift_left3A_303 = arith.shli %get3A_300, %shift_left3A_302 : vector<16xi32>
      %add3A_304 = arith.addi %add3A_295, %shift_left3A_303 : vector<16xi32>
      %get3A_305 = arith.constant 10 : i32
      %get3A_306 = arith.index_cast %get3A_305 : i32 to index
      %get3A_307 = arith.index_cast %add3A_220 : i32 to index
      %get3A_308 = tpu.vector_load %arg5[%get3A_306, %get3A_307] {strides = array<i32>} : memref<20x512xi32, #tpu.memory_space<vmem>>, vector<1x16xi32>,
      %get3A_309 = vector.shape_cast %get3A_308 : vector<1x16xi32> to vector<16xi32>
      %shift_left3A_310 = arith.constant 10 : i32
      %shift_left3A_311 = vector.broadcast %shift_left3A_310 : i32 to vector<16xi32>
      %shift_left3A_312 = arith.shli %get3A_309, %shift_left3A_311 : vector<16xi32>
      %add3A_313 = arith.addi %add3A_304, %shift_left3A_312 : vector<16xi32>
      %get3A_314 = arith.constant 11 : i32
      %get3A_315 = arith.index_cast %get3A_314 : i32 to index
      %get3A_316 = arith.index_cast %add3A_220 : i32 to index
      %get3A_317 = tpu.vector_load %arg5[%get3A_315, %get3A_316] {strides = array<i32>} : memref<20x512xi32, #tpu.memory_space<vmem>>, vector<1x16xi32>,
      %get3A_318 = vector.shape_cast %get3A_317 : vector<1x16xi32> to vector<16xi32>
      %shift_left3A_319 = arith.constant 11 : i32
      %shift_left3A_320 = vector.broadcast %shift_left3A_319 : i32 to vector<16xi32>
      %shift_left3A_321 = arith.shli %get3A_318, %shift_left3A_320 : vector<16xi32>
      %add3A_322 = arith.addi %add3A_313, %shift_left3A_321 : vector<16xi32>
      %get3A_323 = arith.constant 12 : i32
      %get3A_324 = arith.index_cast %get3A_323 : i32 to index
      %get3A_325 = arith.index_cast %add3A_220 : i32 to index
      %get3A_326 = tpu.vector_load %arg5[%get3A_324, %get3A_325] {strides = array<i32>} : memref<20x512xi32, #tpu.memory_space<vmem>>, vector<1x16xi32>,
      %get3A_327 = vector.shape_cast %get3A_326 : vector<1x16xi32> to vector<16xi32>
      %shift_left3A_328 = arith.constant 12 : i32
      %shift_left3A_329 = vector.broadcast %shift_left3A_328 : i32 to vector<16xi32>
      %shift_left3A_330 = arith.shli %get3A_327, %shift_left3A_329 : vector<16xi32>
      %add3A_331 = arith.addi %add3A_322, %shift_left3A_330 : vector<16xi32>
      %get3A_332 = arith.constant 13 : i32
      %get3A_333 = arith.index_cast %get3A_332 : i32 to index
      %get3A_334 = arith.index_cast %add3A_220 : i32 to index
      %get3A_335 = tpu.vector_load %arg5[%get3A_333, %get3A_334] {strides = array<i32>} : memref<20x512xi32, #tpu.memory_space<vmem>>, vector<1x16xi32>,
      %get3A_336 = vector.shape_cast %get3A_335 : vector<1x16xi32> to vector<16xi32>
      %shift_left3A_337 = arith.constant 13 : i32
      %shift_left3A_338 = vector.broadcast %shift_left3A_337 : i32 to vector<16xi32>
      %shift_left3A_339 = arith.shli %get3A_336, %shift_left3A_338 : vector<16xi32>
      %add3A_340 = arith.addi %add3A_331, %shift_left3A_339 : vector<16xi32>
      %get3A_341 = arith.constant 14 : i32
      %get3A_342 = arith.index_cast %get3A_341 : i32 to index
      %get3A_343 = arith.index_cast %add3A_220 : i32 to index
      %get3A_344 = tpu.vector_load %arg5[%get3A_342, %get3A_343] {strides = array<i32>} : memref<20x512xi32, #tpu.memory_space<vmem>>, vector<1x16xi32>,
      %get3A_345 = vector.shape_cast %get3A_344 : vector<1x16xi32> to vector<16xi32>
      %shift_left3A_346 = arith.constant 14 : i32
      %shift_left3A_347 = vector.broadcast %shift_left3A_346 : i32 to vector<16xi32>
      %shift_left3A_348 = arith.shli %get3A_345, %shift_left3A_347 : vector<16xi32>
      %add3A_349 = arith.addi %add3A_340, %shift_left3A_348 : vector<16xi32>
      %get3A_350 = arith.constant 15 : i32
      %get3A_351 = arith.index_cast %get3A_350 : i32 to index
      %get3A_352 = arith.index_cast %add3A_220 : i32 to index
      %get3A_353 = tpu.vector_load %arg5[%get3A_351, %get3A_352] {strides = array<i32>} : memref<20x512xi32, #tpu.memory_space<vmem>>, vector<1x16xi32>,
      %get3A_354 = vector.shape_cast %get3A_353 : vector<1x16xi32> to vector<16xi32>
      %shift_left3A_355 = arith.constant 15 : i32
      %shift_left3A_356 = vector.broadcast %shift_left3A_355 : i32 to vector<16xi32>
      %shift_left3A_357 = arith.shli %get3A_354, %shift_left3A_356 : vector<16xi32>
      %add3A_358 = arith.addi %add3A_349, %shift_left3A_357 : vector<16xi32>
      %get3A_359 = arith.constant 16 : i32
      %get3A_360 = arith.index_cast %get3A_359 : i32 to index
      %get3A_361 = arith.index_cast %add3A_220 : i32 to index
      %get3A_362 = tpu.vector_load %arg5[%get3A_360, %get3A_361] {strides = array<i32>} : memref<20x512xi32, #tpu.memory_space<vmem>>, vector<1x16xi32>,
      %get3A_363 = vector.shape_cast %get3A_362 : vector<1x16xi32> to vector<16xi32>
      %shift_left3A_364 = arith.constant 16 : i32
      %shift_left3A_365 = vector.broadcast %shift_left3A_364 : i32 to vector<16xi32>
      %shift_left3A_366 = arith.shli %get3A_363, %shift_left3A_365 : vector<16xi32>
      %add3A_367 = arith.addi %add3A_358, %shift_left3A_366 : vector<16xi32>
      %get3A_368 = arith.constant 17 : i32
      %get3A_369 = arith.index_cast %get3A_368 : i32 to index
      %get3A_370 = arith.index_cast %add3A_220 : i32 to index
      %get3A_371 = tpu.vector_load %arg5[%get3A_369, %get3A_370] {strides = array<i32>} : memref<20x512xi32, #tpu.memory_space<vmem>>, vector<1x16xi32>,
      %get3A_372 = vector.shape_cast %get3A_371 : vector<1x16xi32> to vector<16xi32>
      %shift_left3A_373 = arith.constant 17 : i32
      %shift_left3A_374 = vector.broadcast %shift_left3A_373 : i32 to vector<16xi32>
      %shift_left3A_375 = arith.shli %get3A_372, %shift_left3A_374 : vector<16xi32>
      %add3A_376 = arith.addi %add3A_367, %shift_left3A_375 : vector<16xi32>
      %get3A_377 = arith.constant 18 : i32
      %get3A_378 = arith.index_cast %get3A_377 : i32 to index
      %get3A_379 = arith.index_cast %add3A_220 : i32 to index
      %get3A_380 = tpu.vector_load %arg5[%get3A_378, %get3A_379] {strides = array<i32>} : memref<20x512xi32, #tpu.memory_space<vmem>>, vector<1x16xi32>,
      %get3A_381 = vector.shape_cast %get3A_380 : vector<1x16xi32> to vector<16xi32>
      %shift_left3A_382 = arith.constant 18 : i32
      %shift_left3A_383 = vector.broadcast %shift_left3A_382 : i32 to vector<16xi32>
      %shift_left3A_384 = arith.shli %get3A_381, %shift_left3A_383 : vector<16xi32>
      %add3A_385 = arith.addi %add3A_376, %shift_left3A_384 : vector<16xi32>
      %get3A_386 = arith.constant 19 : i32
      %get3A_387 = arith.index_cast %get3A_386 : i32 to index
      %get3A_388 = arith.index_cast %add3A_220 : i32 to index
      %get3A_389 = tpu.vector_load %arg5[%get3A_387, %get3A_388] {strides = array<i32>} : memref<20x512xi32, #tpu.memory_space<vmem>>, vector<1x16xi32>,
      %get3A_390 = vector.shape_cast %get3A_389 : vector<1x16xi32> to vector<16xi32>
      %shift_left3A_391 = arith.constant 19 : i32
      %shift_left3A_392 = vector.broadcast %shift_left3A_391 : i32 to vector<16xi32>
      %shift_left3A_393 = arith.shli %get3A_390, %shift_left3A_392 : vector<16xi32>
      %add3A_394 = arith.addi %add3A_385, %shift_left3A_393 : vector<16xi32>
      %mul3A_395 = arith.constant 16 : i32
      %mul3A_396 = arith.muli %scan3A_216, %mul3A_395 : i32
      %swap3A = arith.constant 2 : i32
      %swap3A_397 = arith.index_cast %swap3A : i32 to index
      %swap3A_398 = arith.index_cast %mul3A_396 : i32 to index
      %swap3A_399 = tpu.vector_load %arg6[%swap3A_397, %swap3A_398] {strides = array<i32>} : memref<4x128xi32, #tpu.memory_space<vmem>>, vector<1x16xi32>,
      %swap3A_400 = vector.shape_cast %swap3A_399 : vector<1x16xi32> to vector<16xi32>
      %swap3A_401 = vector.shape_cast %add3A_394 : vector<16xi32> to vector<1x16xi32>
      tpu.vector_store %arg6[%swap3A_397, %swap3A_398], %swap3A_401 {strides = array<i32>} : memref<4x128xi32, #tpu.memory_space<vmem>>, vector<1x16xi32>,
    }
    %scan3A_115 = arith.constant 8 : i32
    %dma_start3A_116 = arith.constant 2 : i32
    %dma_start3A_117 = arith.constant 2 : i32
    %dma_start3A_118 = arith.constant 0 : i32
    %dma_start3A_119 = tpu.memref_slice %arg7[%dma_start3A_117, %dma_start3A_118] : memref<4x128xf32, #tpu.memory_space<vmem>> -> memref<1x128xf32, #tpu.memory_space<vmem>>
    %dma_start3A_120 = tpu.memref_squeeze %dma_start3A_119 : memref<1x128xf32, #tpu.memory_space<vmem>> -> memref<128xf32, #tpu.memory_space<vmem>>
    %dma_start3A_121 = arith.constant 0 : i32
    %dma_start3A_122 = tpu.memref_slice %arg6[%dma_start3A_116, %dma_start3A_121] : memref<4x128xi32, #tpu.memory_space<vmem>> -> memref<1x128xi32, #tpu.memory_space<vmem>>
    %dma_start3A_123 = tpu.memref_squeeze %dma_start3A_122 : memref<1x128xi32, #tpu.memory_space<vmem>> -> memref<128xi32, #tpu.memory_space<vmem>>
    %dma_start3A_124 = arith.constant 0 : i32
    %dma_start3A_125 = tpu.memref_slice %arg3[%dma_start3A_124] : memref<1048576xf32, #tpu.memory_space<hbm>> -> memref<1048576xf32, #tpu.memory_space<hbm>>
    tpu.enqueue_indirect_dma source(%dma_start3A_125 : memref<1048576xf32, #tpu.memory_space<hbm>>) target(%dma_start3A_120 : memref<128xf32, #tpu.memory_space<vmem>>) offsets(%dma_start3A_123 : memref<128xi32, #tpu.memory_space<vmem>>) semaphore(%arg10 : memref<!tpu.dma_semaphore, #tpu.memory_space<semaphore_mem>>)
    %dma_wait3A_126 = arith.constant 0 : i32
    %dma_wait3A_127 = arith.constant 384 : i32
    %dma_wait3A_128 = tpu.memref_slice %arg5[%dma_wait3A_126, %dma_wait3A_127] : memref<20x512xi32, #tpu.memory_space<vmem>> -> memref<20x128xi32, #tpu.memory_space<vmem>>
    %dma_wait3A_129 = arith.constant 0 : i32
    %dma_wait3A_130 = tpu.memref_slice %arg2[%dma_wait3A_129, %add3A_39] : memref<20x16384xi32, #tpu.memory_space<hbm>> -> memref<20x128xi32, #tpu.memory_space<hbm>>
    %dma_wait3A_131 = arith.constant 0 : i32
    %dma_wait3A_132 = arith.constant 384 : i32
    %dma_wait3A_133 = tpu.memref_slice %arg5[%dma_wait3A_131, %dma_wait3A_132] : memref<20x512xi32, #tpu.memory_space<vmem>> -> memref<20x128xi32, #tpu.memory_space<vmem>>
    %dma_wait3A_134 = arith.constant 0 : i32
    %dma_wait3A_135 = tpu.memref_slice %arg2[%dma_wait3A_134, %add3A_39] : memref<20x16384xi32, #tpu.memory_space<hbm>> -> memref<20x128xi32, #tpu.memory_space<hbm>>
    tpu.wait_dma2 semaphore(%arg9 : memref<!tpu.dma_semaphore, #tpu.memory_space<semaphore_mem>>) src(%dma_wait3A_135 : memref<20x128xi32, #tpu.memory_space<hbm>>) dst(%dma_wait3A_133 : memref<20x128xi32, #tpu.memory_space<vmem>>)
    %scan3A_136 = arith.constant 0 : i32
    %scan3A_137 = arith.constant 0 : i32
    %scan3A_138 = arith.constant 8 : i32
    %scan3A_139 = arith.addi %scan3A_137, %scan3A_138 : i32
    %scan3A_140 = arith.constant 1 : i32
    scf.for %scan3A_216 = %scan3A_137 to %scan3A_139 step %scan3A_140  : i32 {
      %mul3A_217 = arith.constant 16 : i32
      %mul3A_218 = arith.muli %scan3A_216, %mul3A_217 : i32
      %add3A_219 = arith.constant 384 : i32
      %add3A_220 = arith.addi %add3A_219, %mul3A_218 : i32
      %get3A = arith.constant 0 : i32
      %get3A_221 = arith.index_cast %get3A : i32 to index
      %get3A_222 = arith.index_cast %add3A_220 : i32 to index
      %get3A_223 = tpu.vector_load %arg5[%get3A_221, %get3A_222] {strides = array<i32>} : memref<20x512xi32, #tpu.memory_space<vmem>>, vector<1x16xi32>,
      %get3A_224 = vector.shape_cast %get3A_223 : vector<1x16xi32> to vector<16xi32>
      %get3A_225 = arith.constant 1 : i32
      %get3A_226 = arith.index_cast %get3A_225 : i32 to index
      %get3A_227 = arith.index_cast %add3A_220 : i32 to index
      %get3A_228 = tpu.vector_load %arg5[%get3A_226, %get3A_227] {strides = array<i32>} : memref<20x512xi32, #tpu.memory_space<vmem>>, vector<1x16xi32>,
      %get3A_229 = vector.shape_cast %get3A_228 : vector<1x16xi32> to vector<16xi32>
      %shift_left3A = arith.constant 1 : i32
      %shift_left3A_230 = vector.broadcast %shift_left3A : i32 to vector<16xi32>
      %shift_left3A_231 = arith.shli %get3A_229, %shift_left3A_230 : vector<16xi32>
      %add3A_232 = arith.addi %get3A_224, %shift_left3A_231 : vector<16xi32>
      %get3A_233 = arith.constant 2 : i32
      %get3A_234 = arith.index_cast %get3A_233 : i32 to index
      %get3A_235 = arith.index_cast %add3A_220 : i32 to index
      %get3A_236 = tpu.vector_load %arg5[%get3A_234, %get3A_235] {strides = array<i32>} : memref<20x512xi32, #tpu.memory_space<vmem>>, vector<1x16xi32>,
      %get3A_237 = vector.shape_cast %get3A_236 : vector<1x16xi32> to vector<16xi32>
      %shift_left3A_238 = arith.constant 2 : i32
      %shift_left3A_239 = vector.broadcast %shift_left3A_238 : i32 to vector<16xi32>
      %shift_left3A_240 = arith.shli %get3A_237, %shift_left3A_239 : vector<16xi32>
      %add3A_241 = arith.addi %add3A_232, %shift_left3A_240 : vector<16xi32>
      %get3A_242 = arith.constant 3 : i32
      %get3A_243 = arith.index_cast %get3A_242 : i32 to index
      %get3A_244 = arith.index_cast %add3A_220 : i32 to index
      %get3A_245 = tpu.vector_load %arg5[%get3A_243, %get3A_244] {strides = array<i32>} : memref<20x512xi32, #tpu.memory_space<vmem>>, vector<1x16xi32>,
      %get3A_246 = vector.shape_cast %get3A_245 : vector<1x16xi32> to vector<16xi32>
      %shift_left3A_247 = arith.constant 3 : i32
      %shift_left3A_248 = vector.broadcast %shift_left3A_247 : i32 to vector<16xi32>
      %shift_left3A_249 = arith.shli %get3A_246, %shift_left3A_248 : vector<16xi32>
      %add3A_250 = arith.addi %add3A_241, %shift_left3A_249 : vector<16xi32>
      %get3A_251 = arith.constant 4 : i32
      %get3A_252 = arith.index_cast %get3A_251 : i32 to index
      %get3A_253 = arith.index_cast %add3A_220 : i32 to index
      %get3A_254 = tpu.vector_load %arg5[%get3A_252, %get3A_253] {strides = array<i32>} : memref<20x512xi32, #tpu.memory_space<vmem>>, vector<1x16xi32>,
      %get3A_255 = vector.shape_cast %get3A_254 : vector<1x16xi32> to vector<16xi32>
      %shift_left3A_256 = arith.constant 4 : i32
      %shift_left3A_257 = vector.broadcast %shift_left3A_256 : i32 to vector<16xi32>
      %shift_left3A_258 = arith.shli %get3A_255, %shift_left3A_257 : vector<16xi32>
      %add3A_259 = arith.addi %add3A_250, %shift_left3A_258 : vector<16xi32>
      %get3A_260 = arith.constant 5 : i32
      %get3A_261 = arith.index_cast %get3A_260 : i32 to index
      %get3A_262 = arith.index_cast %add3A_220 : i32 to index
      %get3A_263 = tpu.vector_load %arg5[%get3A_261, %get3A_262] {strides = array<i32>} : memref<20x512xi32, #tpu.memory_space<vmem>>, vector<1x16xi32>,
      %get3A_264 = vector.shape_cast %get3A_263 : vector<1x16xi32> to vector<16xi32>
      %shift_left3A_265 = arith.constant 5 : i32
      %shift_left3A_266 = vector.broadcast %shift_left3A_265 : i32 to vector<16xi32>
      %shift_left3A_267 = arith.shli %get3A_264, %shift_left3A_266 : vector<16xi32>
      %add3A_268 = arith.addi %add3A_259, %shift_left3A_267 : vector<16xi32>
      %get3A_269 = arith.constant 6 : i32
      %get3A_270 = arith.index_cast %get3A_269 : i32 to index
      %get3A_271 = arith.index_cast %add3A_220 : i32 to index
      %get3A_272 = tpu.vector_load %arg5[%get3A_270, %get3A_271] {strides = array<i32>} : memref<20x512xi32, #tpu.memory_space<vmem>>, vector<1x16xi32>,
      %get3A_273 = vector.shape_cast %get3A_272 : vector<1x16xi32> to vector<16xi32>
      %shift_left3A_274 = arith.constant 6 : i32
      %shift_left3A_275 = vector.broadcast %shift_left3A_274 : i32 to vector<16xi32>
      %shift_left3A_276 = arith.shli %get3A_273, %shift_left3A_275 : vector<16xi32>
      %add3A_277 = arith.addi %add3A_268, %shift_left3A_276 : vector<16xi32>
      %get3A_278 = arith.constant 7 : i32
      %get3A_279 = arith.index_cast %get3A_278 : i32 to index
      %get3A_280 = arith.index_cast %add3A_220 : i32 to index
      %get3A_281 = tpu.vector_load %arg5[%get3A_279, %get3A_280] {strides = array<i32>} : memref<20x512xi32, #tpu.memory_space<vmem>>, vector<1x16xi32>,
      %get3A_282 = vector.shape_cast %get3A_281 : vector<1x16xi32> to vector<16xi32>
      %shift_left3A_283 = arith.constant 7 : i32
      %shift_left3A_284 = vector.broadcast %shift_left3A_283 : i32 to vector<16xi32>
      %shift_left3A_285 = arith.shli %get3A_282, %shift_left3A_284 : vector<16xi32>
      %add3A_286 = arith.addi %add3A_277, %shift_left3A_285 : vector<16xi32>
      %get3A_287 = arith.constant 8 : i32
      %get3A_288 = arith.index_cast %get3A_287 : i32 to index
      %get3A_289 = arith.index_cast %add3A_220 : i32 to index
      %get3A_290 = tpu.vector_load %arg5[%get3A_288, %get3A_289] {strides = array<i32>} : memref<20x512xi32, #tpu.memory_space<vmem>>, vector<1x16xi32>,
      %get3A_291 = vector.shape_cast %get3A_290 : vector<1x16xi32> to vector<16xi32>
      %shift_left3A_292 = arith.constant 8 : i32
      %shift_left3A_293 = vector.broadcast %shift_left3A_292 : i32 to vector<16xi32>
      %shift_left3A_294 = arith.shli %get3A_291, %shift_left3A_293 : vector<16xi32>
      %add3A_295 = arith.addi %add3A_286, %shift_left3A_294 : vector<16xi32>
      %get3A_296 = arith.constant 9 : i32
      %get3A_297 = arith.index_cast %get3A_296 : i32 to index
      %get3A_298 = arith.index_cast %add3A_220 : i32 to index
      %get3A_299 = tpu.vector_load %arg5[%get3A_297, %get3A_298] {strides = array<i32>} : memref<20x512xi32, #tpu.memory_space<vmem>>, vector<1x16xi32>,
      %get3A_300 = vector.shape_cast %get3A_299 : vector<1x16xi32> to vector<16xi32>
      %shift_left3A_301 = arith.constant 9 : i32
      %shift_left3A_302 = vector.broadcast %shift_left3A_301 : i32 to vector<16xi32>
      %shift_left3A_303 = arith.shli %get3A_300, %shift_left3A_302 : vector<16xi32>
      %add3A_304 = arith.addi %add3A_295, %shift_left3A_303 : vector<16xi32>
      %get3A_305 = arith.constant 10 : i32
      %get3A_306 = arith.index_cast %get3A_305 : i32 to index
      %get3A_307 = arith.index_cast %add3A_220 : i32 to index
      %get3A_308 = tpu.vector_load %arg5[%get3A_306, %get3A_307] {strides = array<i32>} : memref<20x512xi32, #tpu.memory_space<vmem>>, vector<1x16xi32>,
      %get3A_309 = vector.shape_cast %get3A_308 : vector<1x16xi32> to vector<16xi32>
      %shift_left3A_310 = arith.constant 10 : i32
      %shift_left3A_311 = vector.broadcast %shift_left3A_310 : i32 to vector<16xi32>
      %shift_left3A_312 = arith.shli %get3A_309, %shift_left3A_311 : vector<16xi32>
      %add3A_313 = arith.addi %add3A_304, %shift_left3A_312 : vector<16xi32>
      %get3A_314 = arith.constant 11 : i32
      %get3A_315 = arith.index_cast %get3A_314 : i32 to index
      %get3A_316 = arith.index_cast %add3A_220 : i32 to index
      %get3A_317 = tpu.vector_load %arg5[%get3A_315, %get3A_316] {strides = array<i32>} : memref<20x512xi32, #tpu.memory_space<vmem>>, vector<1x16xi32>,
      %get3A_318 = vector.shape_cast %get3A_317 : vector<1x16xi32> to vector<16xi32>
      %shift_left3A_319 = arith.constant 11 : i32
      %shift_left3A_320 = vector.broadcast %shift_left3A_319 : i32 to vector<16xi32>
      %shift_left3A_321 = arith.shli %get3A_318, %shift_left3A_320 : vector<16xi32>
      %add3A_322 = arith.addi %add3A_313, %shift_left3A_321 : vector<16xi32>
      %get3A_323 = arith.constant 12 : i32
      %get3A_324 = arith.index_cast %get3A_323 : i32 to index
      %get3A_325 = arith.index_cast %add3A_220 : i32 to index
      %get3A_326 = tpu.vector_load %arg5[%get3A_324, %get3A_325] {strides = array<i32>} : memref<20x512xi32, #tpu.memory_space<vmem>>, vector<1x16xi32>,
      %get3A_327 = vector.shape_cast %get3A_326 : vector<1x16xi32> to vector<16xi32>
      %shift_left3A_328 = arith.constant 12 : i32
      %shift_left3A_329 = vector.broadcast %shift_left3A_328 : i32 to vector<16xi32>
      %shift_left3A_330 = arith.shli %get3A_327, %shift_left3A_329 : vector<16xi32>
      %add3A_331 = arith.addi %add3A_322, %shift_left3A_330 : vector<16xi32>
      %get3A_332 = arith.constant 13 : i32
      %get3A_333 = arith.index_cast %get3A_332 : i32 to index
      %get3A_334 = arith.index_cast %add3A_220 : i32 to index
      %get3A_335 = tpu.vector_load %arg5[%get3A_333, %get3A_334] {strides = array<i32>} : memref<20x512xi32, #tpu.memory_space<vmem>>, vector<1x16xi32>,
      %get3A_336 = vector.shape_cast %get3A_335 : vector<1x16xi32> to vector<16xi32>
      %shift_left3A_337 = arith.constant 13 : i32
      %shift_left3A_338 = vector.broadcast %shift_left3A_337 : i32 to vector<16xi32>
      %shift_left3A_339 = arith.shli %get3A_336, %shift_left3A_338 : vector<16xi32>
      %add3A_340 = arith.addi %add3A_331, %shift_left3A_339 : vector<16xi32>
      %get3A_341 = arith.constant 14 : i32
      %get3A_342 = arith.index_cast %get3A_341 : i32 to index
      %get3A_343 = arith.index_cast %add3A_220 : i32 to index
      %get3A_344 = tpu.vector_load %arg5[%get3A_342, %get3A_343] {strides = array<i32>} : memref<20x512xi32, #tpu.memory_space<vmem>>, vector<1x16xi32>,
      %get3A_345 = vector.shape_cast %get3A_344 : vector<1x16xi32> to vector<16xi32>
      %shift_left3A_346 = arith.constant 14 : i32
      %shift_left3A_347 = vector.broadcast %shift_left3A_346 : i32 to vector<16xi32>
      %shift_left3A_348 = arith.shli %get3A_345, %shift_left3A_347 : vector<16xi32>
      %add3A_349 = arith.addi %add3A_340, %shift_left3A_348 : vector<16xi32>
      %get3A_350 = arith.constant 15 : i32
      %get3A_351 = arith.index_cast %get3A_350 : i32 to index
      %get3A_352 = arith.index_cast %add3A_220 : i32 to index
      %get3A_353 = tpu.vector_load %arg5[%get3A_351, %get3A_352] {strides = array<i32>} : memref<20x512xi32, #tpu.memory_space<vmem>>, vector<1x16xi32>,
      %get3A_354 = vector.shape_cast %get3A_353 : vector<1x16xi32> to vector<16xi32>
      %shift_left3A_355 = arith.constant 15 : i32
      %shift_left3A_356 = vector.broadcast %shift_left3A_355 : i32 to vector<16xi32>
      %shift_left3A_357 = arith.shli %get3A_354, %shift_left3A_356 : vector<16xi32>
      %add3A_358 = arith.addi %add3A_349, %shift_left3A_357 : vector<16xi32>
      %get3A_359 = arith.constant 16 : i32
      %get3A_360 = arith.index_cast %get3A_359 : i32 to index
      %get3A_361 = arith.index_cast %add3A_220 : i32 to index
      %get3A_362 = tpu.vector_load %arg5[%get3A_360, %get3A_361] {strides = array<i32>} : memref<20x512xi32, #tpu.memory_space<vmem>>, vector<1x16xi32>,
      %get3A_363 = vector.shape_cast %get3A_362 : vector<1x16xi32> to vector<16xi32>
      %shift_left3A_364 = arith.constant 16 : i32
      %shift_left3A_365 = vector.broadcast %shift_left3A_364 : i32 to vector<16xi32>
      %shift_left3A_366 = arith.shli %get3A_363, %shift_left3A_365 : vector<16xi32>
      %add3A_367 = arith.addi %add3A_358, %shift_left3A_366 : vector<16xi32>
      %get3A_368 = arith.constant 17 : i32
      %get3A_369 = arith.index_cast %get3A_368 : i32 to index
      %get3A_370 = arith.index_cast %add3A_220 : i32 to index
      %get3A_371 = tpu.vector_load %arg5[%get3A_369, %get3A_370] {strides = array<i32>} : memref<20x512xi32, #tpu.memory_space<vmem>>, vector<1x16xi32>,
      %get3A_372 = vector.shape_cast %get3A_371 : vector<1x16xi32> to vector<16xi32>
      %shift_left3A_373 = arith.constant 17 : i32
      %shift_left3A_374 = vector.broadcast %shift_left3A_373 : i32 to vector<16xi32>
      %shift_left3A_375 = arith.shli %get3A_372, %shift_left3A_374 : vector<16xi32>
      %add3A_376 = arith.addi %add3A_367, %shift_left3A_375 : vector<16xi32>
      %get3A_377 = arith.constant 18 : i32
      %get3A_378 = arith.index_cast %get3A_377 : i32 to index
      %get3A_379 = arith.index_cast %add3A_220 : i32 to index
      %get3A_380 = tpu.vector_load %arg5[%get3A_378, %get3A_379] {strides = array<i32>} : memref<20x512xi32, #tpu.memory_space<vmem>>, vector<1x16xi32>,
      %get3A_381 = vector.shape_cast %get3A_380 : vector<1x16xi32> to vector<16xi32>
      %shift_left3A_382 = arith.constant 18 : i32
      %shift_left3A_383 = vector.broadcast %shift_left3A_382 : i32 to vector<16xi32>
      %shift_left3A_384 = arith.shli %get3A_381, %shift_left3A_383 : vector<16xi32>
      %add3A_385 = arith.addi %add3A_376, %shift_left3A_384 : vector<16xi32>
      %get3A_386 = arith.constant 19 : i32
      %get3A_387 = arith.index_cast %get3A_386 : i32 to index
      %get3A_388 = arith.index_cast %add3A_220 : i32 to index
      %get3A_389 = tpu.vector_load %arg5[%get3A_387, %get3A_388] {strides = array<i32>} : memref<20x512xi32, #tpu.memory_space<vmem>>, vector<1x16xi32>,
      %get3A_390 = vector.shape_cast %get3A_389 : vector<1x16xi32> to vector<16xi32>
      %shift_left3A_391 = arith.constant 19 : i32
      %shift_left3A_392 = vector.broadcast %shift_left3A_391 : i32 to vector<16xi32>
      %shift_left3A_393 = arith.shli %get3A_390, %shift_left3A_392 : vector<16xi32>
      %add3A_394 = arith.addi %add3A_385, %shift_left3A_393 : vector<16xi32>
      %mul3A_395 = arith.constant 16 : i32
      %mul3A_396 = arith.muli %scan3A_216, %mul3A_395 : i32
      %swap3A = arith.constant 3 : i32
      %swap3A_397 = arith.index_cast %swap3A : i32 to index
      %swap3A_398 = arith.index_cast %mul3A_396 : i32 to index
      %swap3A_399 = tpu.vector_load %arg6[%swap3A_397, %swap3A_398] {strides = array<i32>} : memref<4x128xi32, #tpu.memory_space<vmem>>, vector<1x16xi32>,
      %swap3A_400 = vector.shape_cast %swap3A_399 : vector<1x16xi32> to vector<16xi32>
      %swap3A_401 = vector.shape_cast %add3A_394 : vector<16xi32> to vector<1x16xi32>
      tpu.vector_store %arg6[%swap3A_397, %swap3A_398], %swap3A_401 {strides = array<i32>} : memref<4x128xi32, #tpu.memory_space<vmem>>, vector<1x16xi32>,
    }
    %scan3A_141 = arith.constant 8 : i32
    %dma_start3A_142 = arith.constant 3 : i32
    %dma_start3A_143 = arith.constant 3 : i32
    %dma_start3A_144 = arith.constant 0 : i32
    %dma_start3A_145 = tpu.memref_slice %arg7[%dma_start3A_143, %dma_start3A_144] : memref<4x128xf32, #tpu.memory_space<vmem>> -> memref<1x128xf32, #tpu.memory_space<vmem>>
    %dma_start3A_146 = tpu.memref_squeeze %dma_start3A_145 : memref<1x128xf32, #tpu.memory_space<vmem>> -> memref<128xf32, #tpu.memory_space<vmem>>
    %dma_start3A_147 = arith.constant 0 : i32
    %dma_start3A_148 = tpu.memref_slice %arg6[%dma_start3A_142, %dma_start3A_147] : memref<4x128xi32, #tpu.memory_space<vmem>> -> memref<1x128xi32, #tpu.memory_space<vmem>>
    %dma_start3A_149 = tpu.memref_squeeze %dma_start3A_148 : memref<1x128xi32, #tpu.memory_space<vmem>> -> memref<128xi32, #tpu.memory_space<vmem>>
    %dma_start3A_150 = arith.constant 0 : i32
    %dma_start3A_151 = tpu.memref_slice %arg3[%dma_start3A_150] : memref<1048576xf32, #tpu.memory_space<hbm>> -> memref<1048576xf32, #tpu.memory_space<hbm>>
    tpu.enqueue_indirect_dma source(%dma_start3A_151 : memref<1048576xf32, #tpu.memory_space<hbm>>) target(%dma_start3A_146 : memref<128xf32, #tpu.memory_space<vmem>>) offsets(%dma_start3A_149 : memref<128xi32, #tpu.memory_space<vmem>>) semaphore(%arg10 : memref<!tpu.dma_semaphore, #tpu.memory_space<semaphore_mem>>)
    %dma_wait3A_152 = arith.constant 0 : i32
    %dma_wait3A_153 = arith.constant 0 : i32
    %dma_wait3A_154 = arith.constant 0 : i32
    %dma_wait3A_155 = tpu.memref_slice %arg7[%dma_wait3A_153, %dma_wait3A_154] : memref<4x128xf32, #tpu.memory_space<vmem>> -> memref<1x128xf32, #tpu.memory_space<vmem>>
    %dma_wait3A_156 = tpu.memref_squeeze %dma_wait3A_155 : memref<1x128xf32, #tpu.memory_space<vmem>> -> memref<128xf32, #tpu.memory_space<vmem>>
    %dma_wait3A_157 = arith.constant 0 : i32
    %dma_wait3A_158 = tpu.memref_slice %arg6[%dma_wait3A_152, %dma_wait3A_157] : memref<4x128xi32, #tpu.memory_space<vmem>> -> memref<1x128xi32, #tpu.memory_space<vmem>>
    %dma_wait3A_159 = tpu.memref_squeeze %dma_wait3A_158 : memref<1x128xi32, #tpu.memory_space<vmem>> -> memref<128xi32, #tpu.memory_space<vmem>>
    %dma_wait3A_160 = arith.constant 0 : i32
    %dma_wait3A_161 = tpu.memref_slice %arg3[%dma_wait3A_160] : memref<1048576xf32, #tpu.memory_space<hbm>> -> memref<1048576xf32, #tpu.memory_space<hbm>>
    tpu.wait_indirect_dma semaphore(%arg10 : memref<!tpu.dma_semaphore, #tpu.memory_space<semaphore_mem>>) src(%dma_wait3A_161 : memref<1048576xf32, #tpu.memory_space<hbm>>) dst(%dma_wait3A_156 : memref<128xf32, #tpu.memory_space<vmem>>)
    %scan3A_162 = arith.constant 0 : i32
    %scan3A_163 = arith.constant 0 : i32
    %scan3A_164 = arith.constant 8 : i32
    %scan3A_165 = arith.addi %scan3A_163, %scan3A_164 : i32
    %scan3A_166 = arith.constant 1 : i32
    scf.for %scan3A_216 = %scan3A_163 to %scan3A_165 step %scan3A_166  : i32 {
      %mul3A_217 = arith.constant 16 : i32
      %mul3A_218 = arith.muli %scan3A_216, %mul3A_217 : i32
      %add3A_219 = arith.constant 0 : i32
      %add3A_220 = arith.addi %add3A_219, %mul3A_218 : i32
      %mul3A_221 = arith.constant 16 : i32
      %mul3A_222 = arith.muli %scan3A_216, %mul3A_221 : i32
      %get3A = arith.constant 0 : i32
      %get3A_223 = arith.index_cast %get3A : i32 to index
      %get3A_224 = arith.index_cast %mul3A_222 : i32 to index
      %get3A_225 = tpu.vector_load %arg7[%get3A_223, %get3A_224] {strides = array<i32>} : memref<4x128xf32, #tpu.memory_space<vmem>>, vector<1x16xf32>,
      %get3A_226 = vector.shape_cast %get3A_225 : vector<1x16xf32> to vector<16xf32>
      %bitcast_convert_type3A = tpu.bitcast %get3A_226 : vector<16xf32> -> vector<16xi32>
      %add3A_227 = arith.constant 1.000000e-15 : f32
      %add3A_228 = vector.broadcast %add3A_227 : f32 to vector<16xf32>
      %add3A_229 = arith.addf %get3A_226, %add3A_228 : vector<16xf32>
      %abs3A = math.absf %add3A_229 : vector<16xf32>
      %bitcast_convert_type3A_230 = tpu.bitcast %abs3A : vector<16xf32> -> vector<16xi32>
      %shift_right_arithmetic3A = arith.constant 23 : i32
      %shift_right_arithmetic3A_231 = vector.broadcast %shift_right_arithmetic3A : i32 to vector<16xi32>
      %shift_right_arithmetic3A_232 = arith.shrsi %bitcast_convert_type3A_230, %shift_right_arithmetic3A_231 : vector<16xi32>
      %sub3A = arith.constant 127 : i32
      %sub3A_233 = vector.broadcast %sub3A : i32 to vector<16xi32>
      %sub3A_234 = arith.subi %shift_right_arithmetic3A_232, %sub3A_233 : vector<16xi32>
      %and3A = arith.constant 8388607 : i32
      %and3A_235 = vector.broadcast %and3A : i32 to vector<16xi32>
      %and3A_236 = arith.andi %bitcast_convert_type3A_230, %and3A_235 : vector<16xi32>
      %or3A = arith.constant 1065353216 : i32
      %or3A_237 = vector.broadcast %or3A : i32 to vector<16xi32>
      %or3A_238 = arith.ori %and3A_236, %or3A_237 : vector<16xi32>
      %bitcast_convert_type3A_239 = tpu.bitcast %or3A_238 : vector<16xi32> -> vector<16xf32>
      %gt3A = arith.constant 1.41421354 : f32
      %gt3A_240 = vector.broadcast %gt3A : f32 to vector<16xf32>
      %gt3A_241 = arith.cmpf ogt, %bitcast_convert_type3A_239, %gt3A_240 : vector<16xf32>
      %mul3A_242 = arith.constant 5.000000e-01 : f32
      %mul3A_243 = vector.broadcast %mul3A_242 : f32 to vector<16xf32>
      %mul3A_244 = arith.mulf %bitcast_convert_type3A_239, %mul3A_243 : vector<16xf32>
      %select_n3A = arith.select %gt3A_241, %mul3A_244, %bitcast_convert_type3A_239 : vector<16xi1>, vector<16xf32>
      %add3A_245 = arith.constant 1 : i32
      %add3A_246 = vector.broadcast %add3A_245 : i32 to vector<16xi32>
      %add3A_247 = arith.addi %sub3A_234, %add3A_246 : vector<16xi32>
      %select_n3A_248 = arith.select %gt3A_241, %add3A_247, %sub3A_234 : vector<16xi1>, vector<16xi32>
      %convert_element_type3A = arith.sitofp %select_n3A_248 : vector<16xi32> to vector<16xf32>
      %sub3A_249 = arith.constant 1.000000e+00 : f32
      %sub3A_250 = vector.broadcast %sub3A_249 : f32 to vector<16xf32>
      %sub3A_251 = arith.subf %select_n3A, %sub3A_250 : vector<16xf32>
      %add3A_252 = arith.constant 1.000000e+00 : f32
      %add3A_253 = vector.broadcast %add3A_252 : f32 to vector<16xf32>
      %add3A_254 = arith.addf %select_n3A, %add3A_253 : vector<16xf32>
      %div3A = arith.divf %sub3A_251, %add3A_254 : vector<16xf32>
      %mul3A_255 = arith.mulf %div3A, %div3A : vector<16xf32>
      %mul3A_256 = arith.constant 0.285714298 : f32
      %mul3A_257 = vector.broadcast %mul3A_256 : f32 to vector<16xf32>
      %mul3A_258 = arith.mulf %mul3A_255, %mul3A_257 : vector<16xf32>
      %add3A_259 = arith.constant 4.000000e-01 : f32
      %add3A_260 = vector.broadcast %add3A_259 : f32 to vector<16xf32>
      %add3A_261 = arith.addf %add3A_260, %mul3A_258 : vector<16xf32>
      %mul3A_262 = arith.mulf %mul3A_255, %add3A_261 : vector<16xf32>
      %add3A_263 = arith.constant 0.666666686 : f32
      %add3A_264 = vector.broadcast %add3A_263 : f32 to vector<16xf32>
      %add3A_265 = arith.addf %add3A_264, %mul3A_262 : vector<16xf32>
      %mul3A_266 = arith.mulf %mul3A_255, %add3A_265 : vector<16xf32>
      %add3A_267 = arith.constant 2.000000e+00 : f32
      %add3A_268 = vector.broadcast %add3A_267 : f32 to vector<16xf32>
      %add3A_269 = arith.addf %add3A_268, %mul3A_266 : vector<16xf32>
      %mul3A_270 = arith.mulf %div3A, %add3A_269 : vector<16xf32>
      %mul3A_271 = arith.constant 0.693147182 : f32
      %mul3A_272 = vector.broadcast %mul3A_271 : f32 to vector<16xf32>
      %mul3A_273 = arith.mulf %convert_element_type3A, %mul3A_272 : vector<16xf32>
      %add3A_274 = arith.addf %mul3A_273, %mul3A_270 : vector<16xf32>
      %swap3A = arith.constant 0 : i32
      %swap3A_275 = arith.index_cast %swap3A : i32 to index
      %swap3A_276 = arith.index_cast %add3A_220 : i32 to index
      %swap3A_277 = tpu.vector_load %arg8[%swap3A_275, %swap3A_276] {strides = array<i32>} : memref<2x512xf32, #tpu.memory_space<vmem>>, vector<1x16xf32>,
      %swap3A_278 = vector.shape_cast %swap3A_277 : vector<1x16xf32> to vector<16xf32>
      %swap3A_279 = vector.shape_cast %add3A_274 : vector<16xf32> to vector<1x16xf32>
      tpu.vector_store %arg8[%swap3A_275, %swap3A_276], %swap3A_279 {strides = array<i32>} : memref<2x512xf32, #tpu.memory_space<vmem>>, vector<1x16xf32>,
      %lt3A = arith.constant 0 : i32
      %lt3A_280 = vector.broadcast %lt3A : i32 to vector<16xi32>
      %lt3A_281 = arith.cmpi slt, %bitcast_convert_type3A, %lt3A_280 : vector<16xi32>
      %jit3A = arith.constant 3.14159274 : f32
      %jit3A_282 = arith.constant 0.000000e+00 : f32
      %broadcast_in_dim3A = vector.broadcast %jit3A : f32 to vector<16xf32>
      %broadcast_in_dim3A_283 = vector.broadcast %jit3A_282 : f32 to vector<16xf32>
      %select_n3A_284 = arith.select %lt3A_281, %broadcast_in_dim3A, %broadcast_in_dim3A_283 : vector<16xi1>, vector<16xf32>
      %swap3A_285 = arith.constant 1 : i32
      %swap3A_286 = arith.index_cast %swap3A_285 : i32 to index
      %swap3A_287 = arith.index_cast %add3A_220 : i32 to index
      %swap3A_288 = tpu.vector_load %arg8[%swap3A_286, %swap3A_287] {strides = array<i32>} : memref<2x512xf32, #tpu.memory_space<vmem>>, vector<1x16xf32>,
      %swap3A_289 = vector.shape_cast %swap3A_288 : vector<1x16xf32> to vector<16xf32>
      %swap3A_290 = vector.shape_cast %select_n3A_284 : vector<16xf32> to vector<1x16xf32>
      tpu.vector_store %arg8[%swap3A_286, %swap3A_287], %swap3A_290 {strides = array<i32>} : memref<2x512xf32, #tpu.memory_space<vmem>>, vector<1x16xf32>,
    }
    %scan3A_167 = arith.constant 8 : i32
    %dma_wait3A_168 = arith.constant 1 : i32
    %dma_wait3A_169 = arith.constant 1 : i32
    %dma_wait3A_170 = arith.constant 0 : i32
    %dma_wait3A_171 = tpu.memref_slice %arg7[%dma_wait3A_169, %dma_wait3A_170] : memref<4x128xf32, #tpu.memory_space<vmem>> -> memref<1x128xf32, #tpu.memory_space<vmem>>
    %dma_wait3A_172 = tpu.memref_squeeze %dma_wait3A_171 : memref<1x128xf32, #tpu.memory_space<vmem>> -> memref<128xf32, #tpu.memory_space<vmem>>
    %dma_wait3A_173 = arith.constant 0 : i32
    %dma_wait3A_174 = tpu.memref_slice %arg6[%dma_wait3A_168, %dma_wait3A_173] : memref<4x128xi32, #tpu.memory_space<vmem>> -> memref<1x128xi32, #tpu.memory_space<vmem>>
    %dma_wait3A_175 = tpu.memref_squeeze %dma_wait3A_174 : memref<1x128xi32, #tpu.memory_space<vmem>> -> memref<128xi32, #tpu.memory_space<vmem>>
    %dma_wait3A_176 = arith.constant 0 : i32
    %dma_wait3A_177 = tpu.memref_slice %arg3[%dma_wait3A_176] : memref<1048576xf32, #tpu.memory_space<hbm>> -> memref<1048576xf32, #tpu.memory_space<hbm>>
    tpu.wait_indirect_dma semaphore(%arg10 : memref<!tpu.dma_semaphore, #tpu.memory_space<semaphore_mem>>) src(%dma_wait3A_177 : memref<1048576xf32, #tpu.memory_space<hbm>>) dst(%dma_wait3A_172 : memref<128xf32, #tpu.memory_space<vmem>>)
    %scan3A_178 = arith.constant 0 : i32
    %scan3A_179 = arith.constant 0 : i32
    %scan3A_180 = arith.constant 8 : i32
    %scan3A_181 = arith.addi %scan3A_179, %scan3A_180 : i32
    %scan3A_182 = arith.constant 1 : i32
    scf.for %scan3A_216 = %scan3A_179 to %scan3A_181 step %scan3A_182  : i32 {
      %mul3A_217 = arith.constant 16 : i32
      %mul3A_218 = arith.muli %scan3A_216, %mul3A_217 : i32
      %add3A_219 = arith.constant 128 : i32
      %add3A_220 = arith.addi %add3A_219, %mul3A_218 : i32
      %mul3A_221 = arith.constant 16 : i32
      %mul3A_222 = arith.muli %scan3A_216, %mul3A_221 : i32
      %get3A = arith.constant 1 : i32
      %get3A_223 = arith.index_cast %get3A : i32 to index
      %get3A_224 = arith.index_cast %mul3A_222 : i32 to index
      %get3A_225 = tpu.vector_load %arg7[%get3A_223, %get3A_224] {strides = array<i32>} : memref<4x128xf32, #tpu.memory_space<vmem>>, vector<1x16xf32>,
      %get3A_226 = vector.shape_cast %get3A_225 : vector<1x16xf32> to vector<16xf32>
      %bitcast_convert_type3A = tpu.bitcast %get3A_226 : vector<16xf32> -> vector<16xi32>
      %add3A_227 = arith.constant 1.000000e-15 : f32
      %add3A_228 = vector.broadcast %add3A_227 : f32 to vector<16xf32>
      %add3A_229 = arith.addf %get3A_226, %add3A_228 : vector<16xf32>
      %abs3A = math.absf %add3A_229 : vector<16xf32>
      %bitcast_convert_type3A_230 = tpu.bitcast %abs3A : vector<16xf32> -> vector<16xi32>
      %shift_right_arithmetic3A = arith.constant 23 : i32
      %shift_right_arithmetic3A_231 = vector.broadcast %shift_right_arithmetic3A : i32 to vector<16xi32>
      %shift_right_arithmetic3A_232 = arith.shrsi %bitcast_convert_type3A_230, %shift_right_arithmetic3A_231 : vector<16xi32>
      %sub3A = arith.constant 127 : i32
      %sub3A_233 = vector.broadcast %sub3A : i32 to vector<16xi32>
      %sub3A_234 = arith.subi %shift_right_arithmetic3A_232, %sub3A_233 : vector<16xi32>
      %and3A = arith.constant 8388607 : i32
      %and3A_235 = vector.broadcast %and3A : i32 to vector<16xi32>
      %and3A_236 = arith.andi %bitcast_convert_type3A_230, %and3A_235 : vector<16xi32>
      %or3A = arith.constant 1065353216 : i32
      %or3A_237 = vector.broadcast %or3A : i32 to vector<16xi32>
      %or3A_238 = arith.ori %and3A_236, %or3A_237 : vector<16xi32>
      %bitcast_convert_type3A_239 = tpu.bitcast %or3A_238 : vector<16xi32> -> vector<16xf32>
      %gt3A = arith.constant 1.41421354 : f32
      %gt3A_240 = vector.broadcast %gt3A : f32 to vector<16xf32>
      %gt3A_241 = arith.cmpf ogt, %bitcast_convert_type3A_239, %gt3A_240 : vector<16xf32>
      %mul3A_242 = arith.constant 5.000000e-01 : f32
      %mul3A_243 = vector.broadcast %mul3A_242 : f32 to vector<16xf32>
      %mul3A_244 = arith.mulf %bitcast_convert_type3A_239, %mul3A_243 : vector<16xf32>
      %select_n3A = arith.select %gt3A_241, %mul3A_244, %bitcast_convert_type3A_239 : vector<16xi1>, vector<16xf32>
      %add3A_245 = arith.constant 1 : i32
      %add3A_246 = vector.broadcast %add3A_245 : i32 to vector<16xi32>
      %add3A_247 = arith.addi %sub3A_234, %add3A_246 : vector<16xi32>
      %select_n3A_248 = arith.select %gt3A_241, %add3A_247, %sub3A_234 : vector<16xi1>, vector<16xi32>
      %convert_element_type3A = arith.sitofp %select_n3A_248 : vector<16xi32> to vector<16xf32>
      %sub3A_249 = arith.constant 1.000000e+00 : f32
      %sub3A_250 = vector.broadcast %sub3A_249 : f32 to vector<16xf32>
      %sub3A_251 = arith.subf %select_n3A, %sub3A_250 : vector<16xf32>
      %add3A_252 = arith.constant 1.000000e+00 : f32
      %add3A_253 = vector.broadcast %add3A_252 : f32 to vector<16xf32>
      %add3A_254 = arith.addf %select_n3A, %add3A_253 : vector<16xf32>
      %div3A = arith.divf %sub3A_251, %add3A_254 : vector<16xf32>
      %mul3A_255 = arith.mulf %div3A, %div3A : vector<16xf32>
      %mul3A_256 = arith.constant 0.285714298 : f32
      %mul3A_257 = vector.broadcast %mul3A_256 : f32 to vector<16xf32>
      %mul3A_258 = arith.mulf %mul3A_255, %mul3A_257 : vector<16xf32>
      %add3A_259 = arith.constant 4.000000e-01 : f32
      %add3A_260 = vector.broadcast %add3A_259 : f32 to vector<16xf32>
      %add3A_261 = arith.addf %add3A_260, %mul3A_258 : vector<16xf32>
      %mul3A_262 = arith.mulf %mul3A_255, %add3A_261 : vector<16xf32>
      %add3A_263 = arith.constant 0.666666686 : f32
      %add3A_264 = vector.broadcast %add3A_263 : f32 to vector<16xf32>
      %add3A_265 = arith.addf %add3A_264, %mul3A_262 : vector<16xf32>
      %mul3A_266 = arith.mulf %mul3A_255, %add3A_265 : vector<16xf32>
      %add3A_267 = arith.constant 2.000000e+00 : f32
      %add3A_268 = vector.broadcast %add3A_267 : f32 to vector<16xf32>
      %add3A_269 = arith.addf %add3A_268, %mul3A_266 : vector<16xf32>
      %mul3A_270 = arith.mulf %div3A, %add3A_269 : vector<16xf32>
      %mul3A_271 = arith.constant 0.693147182 : f32
      %mul3A_272 = vector.broadcast %mul3A_271 : f32 to vector<16xf32>
      %mul3A_273 = arith.mulf %convert_element_type3A, %mul3A_272 : vector<16xf32>
      %add3A_274 = arith.addf %mul3A_273, %mul3A_270 : vector<16xf32>
      %swap3A = arith.constant 0 : i32
      %swap3A_275 = arith.index_cast %swap3A : i32 to index
      %swap3A_276 = arith.index_cast %add3A_220 : i32 to index
      %swap3A_277 = tpu.vector_load %arg8[%swap3A_275, %swap3A_276] {strides = array<i32>} : memref<2x512xf32, #tpu.memory_space<vmem>>, vector<1x16xf32>,
      %swap3A_278 = vector.shape_cast %swap3A_277 : vector<1x16xf32> to vector<16xf32>
      %swap3A_279 = vector.shape_cast %add3A_274 : vector<16xf32> to vector<1x16xf32>
      tpu.vector_store %arg8[%swap3A_275, %swap3A_276], %swap3A_279 {strides = array<i32>} : memref<2x512xf32, #tpu.memory_space<vmem>>, vector<1x16xf32>,
      %lt3A = arith.constant 0 : i32
      %lt3A_280 = vector.broadcast %lt3A : i32 to vector<16xi32>
      %lt3A_281 = arith.cmpi slt, %bitcast_convert_type3A, %lt3A_280 : vector<16xi32>
      %jit3A = arith.constant 3.14159274 : f32
      %jit3A_282 = arith.constant 0.000000e+00 : f32
      %broadcast_in_dim3A = vector.broadcast %jit3A : f32 to vector<16xf32>
      %broadcast_in_dim3A_283 = vector.broadcast %jit3A_282 : f32 to vector<16xf32>
      %select_n3A_284 = arith.select %lt3A_281, %broadcast_in_dim3A, %broadcast_in_dim3A_283 : vector<16xi1>, vector<16xf32>
      %swap3A_285 = arith.constant 1 : i32
      %swap3A_286 = arith.index_cast %swap3A_285 : i32 to index
      %swap3A_287 = arith.index_cast %add3A_220 : i32 to index
      %swap3A_288 = tpu.vector_load %arg8[%swap3A_286, %swap3A_287] {strides = array<i32>} : memref<2x512xf32, #tpu.memory_space<vmem>>, vector<1x16xf32>,
      %swap3A_289 = vector.shape_cast %swap3A_288 : vector<1x16xf32> to vector<16xf32>
      %swap3A_290 = vector.shape_cast %select_n3A_284 : vector<16xf32> to vector<1x16xf32>
      tpu.vector_store %arg8[%swap3A_286, %swap3A_287], %swap3A_290 {strides = array<i32>} : memref<2x512xf32, #tpu.memory_space<vmem>>, vector<1x16xf32>,
    }
    %scan3A_183 = arith.constant 8 : i32
    %dma_wait3A_184 = arith.constant 2 : i32
    %dma_wait3A_185 = arith.constant 2 : i32
    %dma_wait3A_186 = arith.constant 0 : i32
    %dma_wait3A_187 = tpu.memref_slice %arg7[%dma_wait3A_185, %dma_wait3A_186] : memref<4x128xf32, #tpu.memory_space<vmem>> -> memref<1x128xf32, #tpu.memory_space<vmem>>
    %dma_wait3A_188 = tpu.memref_squeeze %dma_wait3A_187 : memref<1x128xf32, #tpu.memory_space<vmem>> -> memref<128xf32, #tpu.memory_space<vmem>>
    %dma_wait3A_189 = arith.constant 0 : i32
    %dma_wait3A_190 = tpu.memref_slice %arg6[%dma_wait3A_184, %dma_wait3A_189] : memref<4x128xi32, #tpu.memory_space<vmem>> -> memref<1x128xi32, #tpu.memory_space<vmem>>
    %dma_wait3A_191 = tpu.memref_squeeze %dma_wait3A_190 : memref<1x128xi32, #tpu.memory_space<vmem>> -> memref<128xi32, #tpu.memory_space<vmem>>
    %dma_wait3A_192 = arith.constant 0 : i32
    %dma_wait3A_193 = tpu.memref_slice %arg3[%dma_wait3A_192] : memref<1048576xf32, #tpu.memory_space<hbm>> -> memref<1048576xf32, #tpu.memory_space<hbm>>
    tpu.wait_indirect_dma semaphore(%arg10 : memref<!tpu.dma_semaphore, #tpu.memory_space<semaphore_mem>>) src(%dma_wait3A_193 : memref<1048576xf32, #tpu.memory_space<hbm>>) dst(%dma_wait3A_188 : memref<128xf32, #tpu.memory_space<vmem>>)
    %scan3A_194 = arith.constant 0 : i32
    %scan3A_195 = arith.constant 0 : i32
    %scan3A_196 = arith.constant 8 : i32
    %scan3A_197 = arith.addi %scan3A_195, %scan3A_196 : i32
    %scan3A_198 = arith.constant 1 : i32
    scf.for %scan3A_216 = %scan3A_195 to %scan3A_197 step %scan3A_198  : i32 {
      %mul3A_217 = arith.constant 16 : i32
      %mul3A_218 = arith.muli %scan3A_216, %mul3A_217 : i32
      %add3A_219 = arith.constant 256 : i32
      %add3A_220 = arith.addi %add3A_219, %mul3A_218 : i32
      %mul3A_221 = arith.constant 16 : i32
      %mul3A_222 = arith.muli %scan3A_216, %mul3A_221 : i32
      %get3A = arith.constant 2 : i32
      %get3A_223 = arith.index_cast %get3A : i32 to index
      %get3A_224 = arith.index_cast %mul3A_222 : i32 to index
      %get3A_225 = tpu.vector_load %arg7[%get3A_223, %get3A_224] {strides = array<i32>} : memref<4x128xf32, #tpu.memory_space<vmem>>, vector<1x16xf32>,
      %get3A_226 = vector.shape_cast %get3A_225 : vector<1x16xf32> to vector<16xf32>
      %bitcast_convert_type3A = tpu.bitcast %get3A_226 : vector<16xf32> -> vector<16xi32>
      %add3A_227 = arith.constant 1.000000e-15 : f32
      %add3A_228 = vector.broadcast %add3A_227 : f32 to vector<16xf32>
      %add3A_229 = arith.addf %get3A_226, %add3A_228 : vector<16xf32>
      %abs3A = math.absf %add3A_229 : vector<16xf32>
      %bitcast_convert_type3A_230 = tpu.bitcast %abs3A : vector<16xf32> -> vector<16xi32>
      %shift_right_arithmetic3A = arith.constant 23 : i32
      %shift_right_arithmetic3A_231 = vector.broadcast %shift_right_arithmetic3A : i32 to vector<16xi32>
      %shift_right_arithmetic3A_232 = arith.shrsi %bitcast_convert_type3A_230, %shift_right_arithmetic3A_231 : vector<16xi32>
      %sub3A = arith.constant 127 : i32
      %sub3A_233 = vector.broadcast %sub3A : i32 to vector<16xi32>
      %sub3A_234 = arith.subi %shift_right_arithmetic3A_232, %sub3A_233 : vector<16xi32>
      %and3A = arith.constant 8388607 : i32
      %and3A_235 = vector.broadcast %and3A : i32 to vector<16xi32>
      %and3A_236 = arith.andi %bitcast_convert_type3A_230, %and3A_235 : vector<16xi32>
      %or3A = arith.constant 1065353216 : i32
      %or3A_237 = vector.broadcast %or3A : i32 to vector<16xi32>
      %or3A_238 = arith.ori %and3A_236, %or3A_237 : vector<16xi32>
      %bitcast_convert_type3A_239 = tpu.bitcast %or3A_238 : vector<16xi32> -> vector<16xf32>
      %gt3A = arith.constant 1.41421354 : f32
      %gt3A_240 = vector.broadcast %gt3A : f32 to vector<16xf32>
      %gt3A_241 = arith.cmpf ogt, %bitcast_convert_type3A_239, %gt3A_240 : vector<16xf32>
      %mul3A_242 = arith.constant 5.000000e-01 : f32
      %mul3A_243 = vector.broadcast %mul3A_242 : f32 to vector<16xf32>
      %mul3A_244 = arith.mulf %bitcast_convert_type3A_239, %mul3A_243 : vector<16xf32>
      %select_n3A = arith.select %gt3A_241, %mul3A_244, %bitcast_convert_type3A_239 : vector<16xi1>, vector<16xf32>
      %add3A_245 = arith.constant 1 : i32
      %add3A_246 = vector.broadcast %add3A_245 : i32 to vector<16xi32>
      %add3A_247 = arith.addi %sub3A_234, %add3A_246 : vector<16xi32>
      %select_n3A_248 = arith.select %gt3A_241, %add3A_247, %sub3A_234 : vector<16xi1>, vector<16xi32>
      %convert_element_type3A = arith.sitofp %select_n3A_248 : vector<16xi32> to vector<16xf32>
      %sub3A_249 = arith.constant 1.000000e+00 : f32
      %sub3A_250 = vector.broadcast %sub3A_249 : f32 to vector<16xf32>
      %sub3A_251 = arith.subf %select_n3A, %sub3A_250 : vector<16xf32>
      %add3A_252 = arith.constant 1.000000e+00 : f32
      %add3A_253 = vector.broadcast %add3A_252 : f32 to vector<16xf32>
      %add3A_254 = arith.addf %select_n3A, %add3A_253 : vector<16xf32>
      %div3A = arith.divf %sub3A_251, %add3A_254 : vector<16xf32>
      %mul3A_255 = arith.mulf %div3A, %div3A : vector<16xf32>
      %mul3A_256 = arith.constant 0.285714298 : f32
      %mul3A_257 = vector.broadcast %mul3A_256 : f32 to vector<16xf32>
      %mul3A_258 = arith.mulf %mul3A_255, %mul3A_257 : vector<16xf32>
      %add3A_259 = arith.constant 4.000000e-01 : f32
      %add3A_260 = vector.broadcast %add3A_259 : f32 to vector<16xf32>
      %add3A_261 = arith.addf %add3A_260, %mul3A_258 : vector<16xf32>
      %mul3A_262 = arith.mulf %mul3A_255, %add3A_261 : vector<16xf32>
      %add3A_263 = arith.constant 0.666666686 : f32
      %add3A_264 = vector.broadcast %add3A_263 : f32 to vector<16xf32>
      %add3A_265 = arith.addf %add3A_264, %mul3A_262 : vector<16xf32>
      %mul3A_266 = arith.mulf %mul3A_255, %add3A_265 : vector<16xf32>
      %add3A_267 = arith.constant 2.000000e+00 : f32
      %add3A_268 = vector.broadcast %add3A_267 : f32 to vector<16xf32>
      %add3A_269 = arith.addf %add3A_268, %mul3A_266 : vector<16xf32>
      %mul3A_270 = arith.mulf %div3A, %add3A_269 : vector<16xf32>
      %mul3A_271 = arith.constant 0.693147182 : f32
      %mul3A_272 = vector.broadcast %mul3A_271 : f32 to vector<16xf32>
      %mul3A_273 = arith.mulf %convert_element_type3A, %mul3A_272 : vector<16xf32>
      %add3A_274 = arith.addf %mul3A_273, %mul3A_270 : vector<16xf32>
      %swap3A = arith.constant 0 : i32
      %swap3A_275 = arith.index_cast %swap3A : i32 to index
      %swap3A_276 = arith.index_cast %add3A_220 : i32 to index
      %swap3A_277 = tpu.vector_load %arg8[%swap3A_275, %swap3A_276] {strides = array<i32>} : memref<2x512xf32, #tpu.memory_space<vmem>>, vector<1x16xf32>,
      %swap3A_278 = vector.shape_cast %swap3A_277 : vector<1x16xf32> to vector<16xf32>
      %swap3A_279 = vector.shape_cast %add3A_274 : vector<16xf32> to vector<1x16xf32>
      tpu.vector_store %arg8[%swap3A_275, %swap3A_276], %swap3A_279 {strides = array<i32>} : memref<2x512xf32, #tpu.memory_space<vmem>>, vector<1x16xf32>,
      %lt3A = arith.constant 0 : i32
      %lt3A_280 = vector.broadcast %lt3A : i32 to vector<16xi32>
      %lt3A_281 = arith.cmpi slt, %bitcast_convert_type3A, %lt3A_280 : vector<16xi32>
      %jit3A = arith.constant 3.14159274 : f32
      %jit3A_282 = arith.constant 0.000000e+00 : f32
      %broadcast_in_dim3A = vector.broadcast %jit3A : f32 to vector<16xf32>
      %broadcast_in_dim3A_283 = vector.broadcast %jit3A_282 : f32 to vector<16xf32>
      %select_n3A_284 = arith.select %lt3A_281, %broadcast_in_dim3A, %broadcast_in_dim3A_283 : vector<16xi1>, vector<16xf32>
      %swap3A_285 = arith.constant 1 : i32
      %swap3A_286 = arith.index_cast %swap3A_285 : i32 to index
      %swap3A_287 = arith.index_cast %add3A_220 : i32 to index
      %swap3A_288 = tpu.vector_load %arg8[%swap3A_286, %swap3A_287] {strides = array<i32>} : memref<2x512xf32, #tpu.memory_space<vmem>>, vector<1x16xf32>,
      %swap3A_289 = vector.shape_cast %swap3A_288 : vector<1x16xf32> to vector<16xf32>
      %swap3A_290 = vector.shape_cast %select_n3A_284 : vector<16xf32> to vector<1x16xf32>
      tpu.vector_store %arg8[%swap3A_286, %swap3A_287], %swap3A_290 {strides = array<i32>} : memref<2x512xf32, #tpu.memory_space<vmem>>, vector<1x16xf32>,
    }
    %scan3A_199 = arith.constant 8 : i32
    %dma_wait3A_200 = arith.constant 3 : i32
    %dma_wait3A_201 = arith.constant 3 : i32
    %dma_wait3A_202 = arith.constant 0 : i32
    %dma_wait3A_203 = tpu.memref_slice %arg7[%dma_wait3A_201, %dma_wait3A_202] : memref<4x128xf32, #tpu.memory_space<vmem>> -> memref<1x128xf32, #tpu.memory_space<vmem>>
    %dma_wait3A_204 = tpu.memref_squeeze %dma_wait3A_203 : memref<1x128xf32, #tpu.memory_space<vmem>> -> memref<128xf32, #tpu.memory_space<vmem>>
    %dma_wait3A_205 = arith.constant 0 : i32
    %dma_wait3A_206 = tpu.memref_slice %arg6[%dma_wait3A_200, %dma_wait3A_205] : memref<4x128xi32, #tpu.memory_space<vmem>> -> memref<1x128xi32, #tpu.memory_space<vmem>>
    %dma_wait3A_207 = tpu.memref_squeeze %dma_wait3A_206 : memref<1x128xi32, #tpu.memory_space<vmem>> -> memref<128xi32, #tpu.memory_space<vmem>>
    %dma_wait3A_208 = arith.constant 0 : i32
    %dma_wait3A_209 = tpu.memref_slice %arg3[%dma_wait3A_208] : memref<1048576xf32, #tpu.memory_space<hbm>> -> memref<1048576xf32, #tpu.memory_space<hbm>>
    tpu.wait_indirect_dma semaphore(%arg10 : memref<!tpu.dma_semaphore, #tpu.memory_space<semaphore_mem>>) src(%dma_wait3A_209 : memref<1048576xf32, #tpu.memory_space<hbm>>) dst(%dma_wait3A_204 : memref<128xf32, #tpu.memory_space<vmem>>)
    %scan3A_210 = arith.constant 0 : i32
    %scan3A_211 = arith.constant 0 : i32
    %scan3A_212 = arith.constant 8 : i32
    %scan3A_213 = arith.addi %scan3A_211, %scan3A_212 : i32
    %scan3A_214 = arith.constant 1 : i32
    scf.for %scan3A_216 = %scan3A_211 to %scan3A_213 step %scan3A_214  : i32 {
      %mul3A_217 = arith.constant 16 : i32
      %mul3A_218 = arith.muli %scan3A_216, %mul3A_217 : i32
      %add3A_219 = arith.constant 384 : i32
      %add3A_220 = arith.addi %add3A_219, %mul3A_218 : i32
      %mul3A_221 = arith.constant 16 : i32
      %mul3A_222 = arith.muli %scan3A_216, %mul3A_221 : i32
      %get3A = arith.constant 3 : i32
      %get3A_223 = arith.index_cast %get3A : i32 to index
      %get3A_224 = arith.index_cast %mul3A_222 : i32 to index
      %get3A_225 = tpu.vector_load %arg7[%get3A_223, %get3A_224] {strides = array<i32>} : memref<4x128xf32, #tpu.memory_space<vmem>>, vector<1x16xf32>,
      %get3A_226 = vector.shape_cast %get3A_225 : vector<1x16xf32> to vector<16xf32>
      %bitcast_convert_type3A = tpu.bitcast %get3A_226 : vector<16xf32> -> vector<16xi32>
      %add3A_227 = arith.constant 1.000000e-15 : f32
      %add3A_228 = vector.broadcast %add3A_227 : f32 to vector<16xf32>
      %add3A_229 = arith.addf %get3A_226, %add3A_228 : vector<16xf32>
      %abs3A = math.absf %add3A_229 : vector<16xf32>
      %bitcast_convert_type3A_230 = tpu.bitcast %abs3A : vector<16xf32> -> vector<16xi32>
      %shift_right_arithmetic3A = arith.constant 23 : i32
      %shift_right_arithmetic3A_231 = vector.broadcast %shift_right_arithmetic3A : i32 to vector<16xi32>
      %shift_right_arithmetic3A_232 = arith.shrsi %bitcast_convert_type3A_230, %shift_right_arithmetic3A_231 : vector<16xi32>
      %sub3A = arith.constant 127 : i32
      %sub3A_233 = vector.broadcast %sub3A : i32 to vector<16xi32>
      %sub3A_234 = arith.subi %shift_right_arithmetic3A_232, %sub3A_233 : vector<16xi32>
      %and3A = arith.constant 8388607 : i32
      %and3A_235 = vector.broadcast %and3A : i32 to vector<16xi32>
      %and3A_236 = arith.andi %bitcast_convert_type3A_230, %and3A_235 : vector<16xi32>
      %or3A = arith.constant 1065353216 : i32
      %or3A_237 = vector.broadcast %or3A : i32 to vector<16xi32>
      %or3A_238 = arith.ori %and3A_236, %or3A_237 : vector<16xi32>
      %bitcast_convert_type3A_239 = tpu.bitcast %or3A_238 : vector<16xi32> -> vector<16xf32>
      %gt3A = arith.constant 1.41421354 : f32
      %gt3A_240 = vector.broadcast %gt3A : f32 to vector<16xf32>
      %gt3A_241 = arith.cmpf ogt, %bitcast_convert_type3A_239, %gt3A_240 : vector<16xf32>
      %mul3A_242 = arith.constant 5.000000e-01 : f32
      %mul3A_243 = vector.broadcast %mul3A_242 : f32 to vector<16xf32>
      %mul3A_244 = arith.mulf %bitcast_convert_type3A_239, %mul3A_243 : vector<16xf32>
      %select_n3A = arith.select %gt3A_241, %mul3A_244, %bitcast_convert_type3A_239 : vector<16xi1>, vector<16xf32>
      %add3A_245 = arith.constant 1 : i32
      %add3A_246 = vector.broadcast %add3A_245 : i32 to vector<16xi32>
      %add3A_247 = arith.addi %sub3A_234, %add3A_246 : vector<16xi32>
      %select_n3A_248 = arith.select %gt3A_241, %add3A_247, %sub3A_234 : vector<16xi1>, vector<16xi32>
      %convert_element_type3A = arith.sitofp %select_n3A_248 : vector<16xi32> to vector<16xf32>
      %sub3A_249 = arith.constant 1.000000e+00 : f32
      %sub3A_250 = vector.broadcast %sub3A_249 : f32 to vector<16xf32>
      %sub3A_251 = arith.subf %select_n3A, %sub3A_250 : vector<16xf32>
      %add3A_252 = arith.constant 1.000000e+00 : f32
      %add3A_253 = vector.broadcast %add3A_252 : f32 to vector<16xf32>
      %add3A_254 = arith.addf %select_n3A, %add3A_253 : vector<16xf32>
      %div3A = arith.divf %sub3A_251, %add3A_254 : vector<16xf32>
      %mul3A_255 = arith.mulf %div3A, %div3A : vector<16xf32>
      %mul3A_256 = arith.constant 0.285714298 : f32
      %mul3A_257 = vector.broadcast %mul3A_256 : f32 to vector<16xf32>
      %mul3A_258 = arith.mulf %mul3A_255, %mul3A_257 : vector<16xf32>
      %add3A_259 = arith.constant 4.000000e-01 : f32
      %add3A_260 = vector.broadcast %add3A_259 : f32 to vector<16xf32>
      %add3A_261 = arith.addf %add3A_260, %mul3A_258 : vector<16xf32>
      %mul3A_262 = arith.mulf %mul3A_255, %add3A_261 : vector<16xf32>
      %add3A_263 = arith.constant 0.666666686 : f32
      %add3A_264 = vector.broadcast %add3A_263 : f32 to vector<16xf32>
      %add3A_265 = arith.addf %add3A_264, %mul3A_262 : vector<16xf32>
      %mul3A_266 = arith.mulf %mul3A_255, %add3A_265 : vector<16xf32>
      %add3A_267 = arith.constant 2.000000e+00 : f32
      %add3A_268 = vector.broadcast %add3A_267 : f32 to vector<16xf32>
      %add3A_269 = arith.addf %add3A_268, %mul3A_266 : vector<16xf32>
      %mul3A_270 = arith.mulf %div3A, %add3A_269 : vector<16xf32>
      %mul3A_271 = arith.constant 0.693147182 : f32
      %mul3A_272 = vector.broadcast %mul3A_271 : f32 to vector<16xf32>
      %mul3A_273 = arith.mulf %convert_element_type3A, %mul3A_272 : vector<16xf32>
      %add3A_274 = arith.addf %mul3A_273, %mul3A_270 : vector<16xf32>
      %swap3A = arith.constant 0 : i32
      %swap3A_275 = arith.index_cast %swap3A : i32 to index
      %swap3A_276 = arith.index_cast %add3A_220 : i32 to index
      %swap3A_277 = tpu.vector_load %arg8[%swap3A_275, %swap3A_276] {strides = array<i32>} : memref<2x512xf32, #tpu.memory_space<vmem>>, vector<1x16xf32>,
      %swap3A_278 = vector.shape_cast %swap3A_277 : vector<1x16xf32> to vector<16xf32>
      %swap3A_279 = vector.shape_cast %add3A_274 : vector<16xf32> to vector<1x16xf32>
      tpu.vector_store %arg8[%swap3A_275, %swap3A_276], %swap3A_279 {strides = array<i32>} : memref<2x512xf32, #tpu.memory_space<vmem>>, vector<1x16xf32>,
      %lt3A = arith.constant 0 : i32
      %lt3A_280 = vector.broadcast %lt3A : i32 to vector<16xi32>
      %lt3A_281 = arith.cmpi slt, %bitcast_convert_type3A, %lt3A_280 : vector<16xi32>
      %jit3A = arith.constant 3.14159274 : f32
      %jit3A_282 = arith.constant 0.000000e+00 : f32
      %broadcast_in_dim3A = vector.broadcast %jit3A : f32 to vector<16xf32>
      %broadcast_in_dim3A_283 = vector.broadcast %jit3A_282 : f32 to vector<16xf32>
      %select_n3A_284 = arith.select %lt3A_281, %broadcast_in_dim3A, %broadcast_in_dim3A_283 : vector<16xi1>, vector<16xf32>
      %swap3A_285 = arith.constant 1 : i32
      %swap3A_286 = arith.index_cast %swap3A_285 : i32 to index
      %swap3A_287 = arith.index_cast %add3A_220 : i32 to index
      %swap3A_288 = tpu.vector_load %arg8[%swap3A_286, %swap3A_287] {strides = array<i32>} : memref<2x512xf32, #tpu.memory_space<vmem>>, vector<1x16xf32>,
      %swap3A_289 = vector.shape_cast %swap3A_288 : vector<1x16xf32> to vector<16xf32>
      %swap3A_290 = vector.shape_cast %select_n3A_284 : vector<16xf32> to vector<1x16xf32>
      tpu.vector_store %arg8[%swap3A_286, %swap3A_287], %swap3A_290 {strides = array<i32>} : memref<2x512xf32, #tpu.memory_space<vmem>>, vector<1x16xf32>,
    }
    %scan3A_215 = arith.constant 8 : i32
    "tpu.region"() ({
      %run_scoped3A = tpu.sem_alloc : memref<!tpu.dma_semaphore, #tpu.memory_space<semaphore_mem>>
      %dma_start3A_216 = arith.constant 0 : i32
      %dma_start3A_217 = tpu.memref_slice %arg4[%dma_start3A_216, %mul3A_2] : memref<2x16384xf32, #tpu.memory_space<hbm>> -> memref<2x512xf32, #tpu.memory_space<hbm>>
      %dma_start3A_218 = arith.constant 0 : i32
      %dma_start3A_219 = tpu.memref_slice %arg4[%dma_start3A_218, %mul3A_2] : memref<2x16384xf32, #tpu.memory_space<hbm>> -> memref<2x512xf32, #tpu.memory_space<hbm>>
      tpu.enqueue_dma source(%arg8 : memref<2x512xf32, #tpu.memory_space<vmem>>) target(%dma_start3A_219 : memref<2x512xf32, #tpu.memory_space<hbm>>) target_semaphore(%run_scoped3A : memref<!tpu.dma_semaphore, #tpu.memory_space<semaphore_mem>>)
      %dma_wait3A_220 = arith.constant 0 : i32
      %dma_wait3A_221 = tpu.memref_slice %arg4[%dma_wait3A_220, %mul3A_2] : memref<2x16384xf32, #tpu.memory_space<hbm>> -> memref<2x512xf32, #tpu.memory_space<hbm>>
      %dma_wait3A_222 = arith.constant 0 : i32
      %dma_wait3A_223 = tpu.memref_slice %arg4[%dma_wait3A_222, %mul3A_2] : memref<2x16384xf32, #tpu.memory_space<hbm>> -> memref<2x512xf32, #tpu.memory_space<hbm>>
      tpu.wait_dma2 semaphore(%run_scoped3A : memref<!tpu.dma_semaphore, #tpu.memory_space<semaphore_mem>>) src(%arg8 : memref<2x512xf32, #tpu.memory_space<vmem>>) dst(%dma_wait3A_223 : memref<2x512xf32, #tpu.memory_space<hbm>>)
      tpu.yield
    }) : () -> ()
    return
  }
}

</mosaic_0001>

<sc_bundles>
// kernel: kernel.4.cloned.1.call-start
scs
__scs_entry_jumppad:
0x0: {  	(pc) =	sbr.rel $0x88, $3  }
0x1: {  	(tag) =	ssettag $0x0;
	lr =	simm.s32 $0x1  }
0x2: {  	[smem:$0x3F9F] =	sst lr;
	_ =	strace $0xD0000000  }
0x3: {  	_ = 	snop  }
0x4: {  	_ = 	snop  }
0x5: {  	_ = 	snop  }
0x6: {  	_ = 	snop  }
0x7: {  	_ = 	snop  }
__scs_overlays_trampoline_lowered:
0x8: {  	[smem:$0x3FAE] =	sst s0  }
0x9: {  	[smem:$0x3FAF] =	sst s1  }
0xa: {  	[smem:$0x3FB0] =	sst s2  }
0xb: {  	[smem:$0x3FB1] =	sst s3  }
0xc: {  	[smem:$0x3FB2] =	sst s4  }
0xd: {  	[smem:$0x3FB3] =	sst s5  }
0xe: {  	[smem:$0x3FB4] =	sst s6  }
0xf: {  	[smem:$0x3FB5] =	sst s7  }
0x10: {  	[smem:$0x3FB6] =	sst s8  }
0x11: {  	[smem:$0x3FB7] =	sst s9;
	s0 =	simm.s32 @!p0 $0x0  }
0x12: {  	s1 =	sld [smem:$0x3F9D];
	s0 =	simm.s32 @p0 $0x1  }
0x13: {  	[smem:$0x3FB8] =	sst s0;
	s0 =	simm.s32 @!p1 $0x0  }
0x14: {  	s2 =	sld [smem:$0x3F9C];
	s0 =	simm.s32 @p1 $0x1  }
0x15: {  	[smem:$0x3FB9] =	sst s0;
	s0 =	simm.s32 @!p2 $0x0  }
0x16: {  	s3 =	sld [smem:$0x3FDB];
	s0 =	simm.s32 @p2 $0x1  }
0x17: {  	s4 =	simm.s32 $0x1BF5;
	[smem:$0x3FBB] =	sst s0  }
0x18: {  	s0 =	sld [smem:$0x3F9E];
	_ =	swait.ge [sflag:s4], $0x0  }
0x19: {  	s7 =	sld [smem:$0x3F9F]  }
0x1a: {  	s8 =	sadd.s32 $0xFFFFE003, lr  }
0x1b: {  	s9 =	sadd.s32 $0xFFFFFEF7, lr;
	s5 =	simm.s32 $0xFFFFFFFF;
	p2 =	slt.u32 s8, $0xFFFFF086  }
0x1c: {  	p1 =	slt.u32 s9, $0xF7A;
	s5 =	simm.s32 @!p2 $0x0  }
0x1d: {  	s5 =	simm.s32 @p1 $0x1;
	p0 =	seq.s32 s7, s2  }
0x1e: {  	s7 =	smul.u32 @!p0 $0xF7A, s2;
	p2 =	seq.s32 @!p0 s5, $0x0  }
0x1f: {  	s9 =	smul.u32 $0xF7A, s1;
	s8 =	simm.s32 @!p0 $0x1BF5;
	p2 =	por !p2, p0  }
0x20: {  	[sflag:s8] =	ssyncset.s32 @!p0 $0xFFFFF086;
	s6 =	sadd.s32 @!p0 s3, s7;
	s7 =	simm.s32 @!p0 $0x108  }
0x21: {  	s3 =	sadd.s32 s3, s9;
	s6 =	sadd.s32 @!p0 $0x88, s6;
	s7 =	simm.s32 @p2 $0x1082  }
0x22: {  	[simem:s7], [sflag:s8] =	dma.local @!p0 [hbm:s6], $0xF7A  }
0x23: {  	s9 =	sor.u32 $0xD0000000, s2;
	s6 =	simm.s32 $0x108;
	_ =	swait.ge @!p0 [sflag:s8], $0x0  }
0x24: {  	s3 =	sadd.s32 $0x88, s3;
	s6 =	simm.s32 @!p1 $0x1082;
	[sflag:s4] =	ssyncset.s32 $0xFFFFF086  }
0x25: {  	[simem:s6], [sflag:s4] =	dma.local [hbm:s3], $0xF7A  }
0x26: {  	[smem:$0x3F9F] =	sst s1;
	(tag) =	ssettag s2;
	_ =	strace s9  }
0x27: {  	s1 =	sld [smem:$0x3FAF]  }
0x28: {  	s2 =	sld [smem:$0x3FB0]  }
0x29: {  	s4 =	sld [smem:$0x3FB2]  }
0x2a: {  	p0 =	seq.s32 s5, $0x0;
	s5 =	sld [smem:$0x3FB3]  }
0x2b: {  	s6 =	sld [smem:$0x3FB4]  }
0x2c: {  	s7 =	sld [smem:$0x3FB5]  }
0x2d: {  	s3 =	simm.s32 $0x108;
	s8 =	sld [smem:$0x3FB6]  }
0x2e: {  	s3 =	simm.s32 @!p0 $0x1082;
	s9 =	sld [smem:$0x3FB7]  }
0x2f: {  	lr =	sadd.s32 s0, s3;
	s0 =	sld [smem:$0x3FAE]  }
0x30: {  	s3 =	sld [smem:$0x3FB1]  }
0x31: {  	[smem:$0x3FBA] =	sst s10  }
0x32: {  	s10 =	sld [smem:$0x3FB8];
	_ =	sdelay $0x3  }
0x33: {  	p0 =	seq.s32 s10, $0x1;
	s10 =	sld [smem:$0x3FBA];
	_ =	sdelay $0x3  }
0x34: {  	[smem:$0x3FBA] =	sst s10  }
0x35: {  	s10 =	sld [smem:$0x3FB9];
	_ =	sdelay $0x3  }
0x36: {  	p1 =	seq.s32 s10, $0x1;
	s10 =	sld [smem:$0x3FBA];
	_ =	sdelay $0x3  }
0x37: {  	[smem:$0x3FBA] =	sst s10  }
0x38: {  	s10 =	sld [smem:$0x3FBB]  }
0x39: {  	_ = 	snop;
	(pc) =	sbr.ind lr, $3  }
0x3a: {  	_ = 	snop  }
0x3b: {  	_ = 	snop  }
0x3c: {  	p2 =	seq.s32 s10, $0x1;
	s10 =	sld [smem:$0x3FBA]  }
0x3d: {  	_ =	shalt  }
0x3e: {  	_ =	shalt  }
0x3f: {  	_ =	shalt  }
0x40: {  	_ =	shalt  }
0x41: {  	_ =	shalt  }
0x42: {  	_ =	shalt  }
0x43: {  	_ =	shalt  }
0x44: {  	_ =	shalt  }
0x45: {  	_ =	shalt  }
0x46: {  	_ =	shalt  }
0x47: {  	_ =	shalt  }
0x48: {  	_ =	shalt  }
0x49: {  	_ =	shalt  }
0x4a: {  	_ =	shalt  }
0x4b: {  	_ =	shalt  }
0x4c: {  	_ =	shalt  }
0x4d: {  	_ =	shalt  }
0x4e: {  	_ =	shalt  }
0x4f: {  	_ =	shalt  }
0x50: {  	_ =	shalt  }
0x51: {  	_ =	shalt  }
0x52: {  	_ =	shalt  }
0x53: {  	_ =	shalt  }
0x54: {  	_ =	shalt  }
0x55: {  	_ =	shalt  }
0x56: {  	_ =	shalt  }
0x57: {  	_ =	shalt  }
0x58: {  	_ =	shalt  }
0x59: {  	_ =	shalt  }
0x5a: {  	_ =	shalt  }
0x5b: {  	_ =	shalt  }
0x5c: {  	_ =	shalt  }
0x5d: {  	_ =	shalt  }
0x5e: {  	_ =	shalt  }
0x5f: {  	_ =	shalt  }
0x60: {  	_ =	shalt  }
0x61: {  	_ =	shalt  }
0x62: {  	_ =	shalt  }
0x63: {  	_ =	shalt  }
0x64: {  	_ =	shalt  }
0x65: {  	_ =	shalt  }
0x66: {  	_ =	shalt  }
0x67: {  	_ =	shalt  }
0x68: {  	_ =	shalt  }
0x69: {  	_ =	shalt  }
0x6a: {  	_ =	shalt  }
0x6b: {  	_ =	shalt  }
0x6c: {  	_ =	shalt  }
0x6d: {  	_ =	shalt  }
0x6e: {  	_ =	shalt  }
0x6f: {  	_ =	shalt  }
0x70: {  	_ =	shalt  }
0x71: {  	_ =	shalt  }
0x72: {  	_ =	shalt  }
0x73: {  	_ =	shalt  }
0x74: {  	_ =	shalt  }
0x75: {  	_ =	shalt  }
0x76: {  	_ =	shalt  }
0x77: {  	_ =	shalt  }
0x78: {  	_ =	shalt  }
0x79: {  	_ =	shalt  }
0x7a: {  	_ =	shalt  }
0x7b: {  	_ =	shalt  }
0x7c: {  	_ =	shalt  }
0x7d: {  	_ =	shalt  }
0x7e: {  	_ =	shalt  }
0x7f: {  	_ =	shalt  }
0x80: {  	_ =	shalt  }
0x81: {  	_ =	shalt  }
0x82: {  	_ =	shalt  }
0x83: {  	_ =	shalt  }
0x84: {  	_ =	shalt  }
0x85: {  	_ =	shalt  }
0x86: {  	_ =	shalt  }
0x87: {  	_ =	shalt  }
.Lfunc_end0:
.L_simem_size_0:
called_computation_lowered:
.L_overlay_start_0:
0x88: {  	s2 =	sld [smem:$0x3FD9]  }
0x89: {  	s3 =	sld [smem:$0x3FFE];
	_ =	sdelay $0x1  }
0x8a: {  	s1 =	srdreg.scid  }
0x8b: {  	s0 =	sand.u32 $0x1, s1  }
0x8c: {  	s18 =	sshll.u32 s0, $0xA;
	s2 =	sadd.s32 s3, s2  }
0x8d: {  	s2 =	sadd.s32 s2, s18  }
0x8e: {  	[smem:$0x3FC6] =	sst s2  }
0x8f: {  	_ = 	snop  }
0x90: {  	s2 =	sld [smem:$0x3FC9]  }
0x91: {  	s19 =	sld [smem:$0x3FC8]  }
0x92: {  	s4 =	sld [smem:$0x3FD0];
	(tm) =	ssettm $0x1  }
0x93: {  	s5 =	sld [smem:$0x3FFB];
	_ =	sdelay $0x3  }
0x94: {  	_ =	strace s5  }
0x95: {  	s5 =	sld [smem:$0x3FFC];
	_ =	sdelay $0x3  }
0x96: {  	_ =	strace s5  }
0x97: {  	s5 =	sld [smem:$0x3FFD];
	_ =	sdelay $0x3  }
0x98: {  	_ =	strace s5  }
0x99: {  	_ =	strace $0x8FFFFFFF  }
0x9a: {  	s20 =	sld [smem:$0x3FDB];
	_ =	sdelay $0x1  }
0x9b: {  	s6 =	simm.s32 $_scs_section_size  }
0x9c: {  	s7 =	simm.s32 $_size__tile_overlayer_lowered;
	s8 =	simm.s32 $_tile_overlayer_lowered  }
0x9d: {  	s23 =	simm.s32 $0x1BFF;
	s22 =	sshll.u32 s8, $0x1;
	s5 =	sadd.s32 s6, s20  }
0x9e: {  	s9 =	simm.s32 $0x0;
	s21 =	sshll.u32 s7, $0x1;
	s7 =	sadd.s32 s22, s5  }
0x9f: {  	[timem:s9], [sflag:s23] =	dma.local [hbm:s7], s21  }
0xa0: {  	_ =	swait.ge [sflag:s23], s21  }
0xa1: {  	s6 =	ssub.s32 $0x0, s21;
	[sflag:s23] =	ssyncset.done $0x0  }
0xa2: {  	[sflag:s23] =	ssyncadd.s32 s6;
	_ =	sdelay $0x1  }
0xa3: {  	s24 =	simm.s32 $0x1B8B  }
0xa4: {  	_ =	swait.ge [sflag:s24], $0x1  }
0xa5: {  	[sflag:s24] =	ssyncset.done $0x0  }
0xa6: {  	s25 =	simm.s32 $0x1B8E;
	[sflag:s24] =	ssyncadd.s32 $0xFFFFFFFF  }
0xa7: {  	s26 =	simm.s32 $execute0_lowered;
	[smem:$0x3FD2] =	sst s25  }
0xa8: {  	s6 =	sshll.u32 s26, $0x1;
	_ =	strace $0x80000046;
	[dreg:$0x1] =	wrdreg $0xFFFFFFFF  }
0xa9: {  	s28 =	simm.s32 $_size_execute0_lowered;
	s5 =	sadd.s32 s5, s6;
	[dreg:$0x0] =	wrdreg $0x0  }
0xaa: {  	s6 =	sshll.u32 s28, $0x1;
	[dreg:$0x2] =	wrdreg s5  }
0xab: {  	[dreg:$0x3] =	wrdreg s6  }
0xac: {  	[dreg:$0x4] =	wrdreg $0xC0  }
0xad: {  	_ =	task [dreg:s9], $0x5FFFF  }
0xae: {  	[dreg:$0x1] =	wrdreg $0xFFFFFFFF  }
0xaf: {  	[dreg:$0x0] =	wrdreg $0x60  }
0xb0: {  	[dreg:$0x2] =	wrdreg s2  }
0xb1: {  	[dreg:$0x3] =	wrdreg s19  }
0xb2: {  	[dreg:$0x4] =	wrdreg s4  }
0xb3: {  	[dreg:$0x5] =	wrdreg $0x9  }
0xb4: {  	_ =	task.clear_ibuf [dreg:s9], $0x6FFFF;
	_ =	strace $0x90000046  }
0xb5: {  	s29 =	simm.s32 $0x9;
	_ =	strace $0x80000048  }
0xb6: {  	_ =	swait.ge [sflag:s29], $0x1  }
0xb7: {  	[sflag:s29] =	ssyncadd.s32 $0xFFFFFFFF  }
0xb8: {  	_ =	strace $0x90000048  }
0xb9: {  	_ =	sfence  }
0xba: {  	s30 =	sld [smem:$0x0];
	_ =	sdelay $0x2  }
0xbb: {  	s31 =	sshll.u32 s1, $0xD;
	s1 =	sshrl.u32 s1, $0x2  }
0xbc: {  	s3 =	sand.u32 $0x4000, s31;
	s1 =	sadd.s32 s1, s30  }
0xbd: {  	s0 =	sor.u32 s3, s0;
	s1 =	sshll.u32 s1, $0x11  }
0xbe: {  	s0 =	sor.u32 s1, s0  }
0xbf: {  	s0 =	sadd.s32 $0x8F2B, s0  }
0xc0: {  	[sflag:s0] =	ssyncadd.remote.s32 $0x1  }
0xc1: {  	_ =	sfence.sel $0xFFFF  }
0xc2: {  	[dreg:$0x0] =	wrdreg $0xFFFFFFFF;
	(pc) =	sbr.abs _section_cstart, $3  }
0xc3: {  	[dreg:$0x1] =	wrdreg $0xFFFFFFFF  }
0xc4: {  	_ =	task.clear_ibuf [dreg:s9], $0x2FFFF;
	_ =	strace $0x9FFFFFFF  }
0xc5: {  	(tm) =	ssettm $0x7FFFFFFF  }
tec
execute0_lowered:
.L_overlay_start_1:
0x0: {  	(tag) =	ssettag $0x1  }
0x1: {  	s0 =	rddreg [dreg:$0x0]  }
0x2: {  	s1 =	rddreg [dreg:$0x1]  }
0x3: {  	s2 =	rddreg [dreg:$0x2];
	s4 =	srdreg.scid  }
0x4: {  	s3 =	simm.s32 $0x0;
	s6 =	stileid.u32;
	s30 =	simm.s32 $0x1  }
0x5: {  	s31 =	simm.s32 $0x80;
	s23 =	simm.s32 $0x3380;
	s24 =	simm.s32 $0x2  }
0x6: {  	s25 =	simm.s32 $0x3400;
	s26 =	simm.s32 $0x3;
	s4 =	sand.u32 $0x1, s4  }
0x7: {  	s6 =	sshll.u32 s6, $0xA;
	s5 =	ssub.s32 $0x2, s4;
	s4 =	sshll.u32 s4, $0x9  }
0x8: {  	s28 =	simm.s32 $0x0;
	[smem:$0x7FF] =	sst s3;
	s8 =	sor.u32 s4, s6  }
0x9: {  	_ =	strace $0x80000047;
	s7 =	sshrl.u32 s5, $0x1;
	s4 =	sadd.s32 s0, s8  }
0xa: {  	s9 =	ssub.s32 s5, s7;
	s29 =	sshrl.u32 s8, $0x2;
	s5 =	sadd.s32 $0x80, s4  }
0xb: {  	s6 =	sadd.s32 $0x100, s4;
	s7 =	sadd.s32 $0x180, s4;
	s8 =	sadd.s32 s2, s29  }
0xc: {  	s9 =	smax.u32 s9, $0x1;
	s10 =	sadd.s32 $0x4000, s4;
	s11 =	sadd.s32 $0x8000, s4  }
0xd: {  	s12 =	sadd.s32 $0x4080, s4;
	s13 =	sadd.s32 $0x8080, s4;
	s14 =	sadd.s32 $0x4100, s4  }
0xe: {  	v0 =	vimm.s32 $0xFFFFFF81;
	v1 =	vimm.f32 $0.0e+00;
	s15 =	sadd.s32 $0x8100, s4;
	s16 =	sadd.s32 $0x4180, s4;
	s17 =	sadd.s32 $0x8180, s4  }
.LBB2_1:
0xf: {  	[tilespmem:s3], [sflag:$0x1] =	stream.linear.gather [hbm4b:s4+s3], $0x400, $0x38;
	[tilespmem:$0x3800] =	vst v63  }
0x10: {  	s0 =	simm.s32 $0x1000  }
0x11: {  	[tilespmem:s0], [sflag:$0x1] =	stream.linear.gather [hbm4b:s10+s3], $0x400, $0x38;
	[tilespmem:$0x3800] =	vst v63  }
0x12: {  	s21 =	simm.s32 $0x2000  }
0x13: {  	[tilespmem:s21], [sflag:$0x1] =	stream.linear.gather [hbm4b:s11+s3], $0x400, $0x38;
	[tilespmem:$0x3800] =	vst v63  }
0x14: {  	s22 =	simm.s32 $0x400  }
0x15: {  	[tilespmem:s22], [sflag:$0x1] =	stream.linear.gather [hbm4b:s5+s3], $0x400, $0x38;
	[tilespmem:$0x3800] =	vst v63  }
0x16: {  	s29 =	simm.s32 $0x1400  }
0x17: {  	[tilespmem:s29], [sflag:$0x1] =	stream.linear.gather [hbm4b:s12+s3], $0x400, $0x38;
	[tilespmem:$0x3800] =	vst v63  }
0x18: {  	s2 =	simm.s32 $0x2400  }
0x19: {  	[tilespmem:s2], [sflag:$0x1] =	stream.linear.gather [hbm4b:s13+s3], $0x400, $0x38;
	[tilespmem:$0x3800] =	vst v63  }
0x1a: {  	s18 =	simm.s32 $0x800  }
0x1b: {  	[tilespmem:s18], [sflag:$0x1] =	stream.linear.gather [hbm4b:s6+s3], $0x400, $0x38;
	[tilespmem:$0x3800] =	vst v63  }
0x1c: {  	s19 =	simm.s32 $0x1800  }
0x1d: {  	[tilespmem:s19], [sflag:$0x1] =	stream.linear.gather [hbm4b:s14+s3], $0x400, $0x38;
	[tilespmem:$0x3800] =	vst v63  }
0x1e: {  	s20 =	simm.s32 $0x2800  }
0x1f: {  	[tilespmem:s20], [sflag:$0x1] =	stream.linear.gather [hbm4b:s15+s3], $0x400, $0x38;
	[tilespmem:$0x3800] =	vst v63  }
0x20: {  	s21 =	simm.s32 $0xC00  }
0x21: {  	[tilespmem:s21], [sflag:$0x1] =	stream.linear.gather [hbm4b:s7+s3], $0x400, $0x38;
	[tilespmem:$0x3800] =	vst v63  }
0x22: {  	s22 =	simm.s32 $0x1C00  }
0x23: {  	[tilespmem:s22], [sflag:$0x1] =	stream.linear.gather [hbm4b:s16+s3], $0x400, $0x38;
	[tilespmem:$0x3800] =	vst v63  }
0x24: {  	s29 =	simm.s32 $0x2C00  }
0x25: {  	[tilespmem:s29], [sflag:$0x1] =	stream.linear.gather [hbm4b:s17+s3], $0x400, $0x38;
	[tilespmem:$0x3800] =	vst v63  }
0x26: {  	_ =	swait.ge [sflag:s30], $0xC00  }
0x27: {  	[sflag:s30] =	ssyncset.done $0x0  }
0x28: {  	s0 =	simm.s32 $0x0;
	[sflag:s30] =	ssyncadd.s32 $0xFFFFF400  }
0x29: {  	v2 =	vld [tilespmem:s0+$0x0]  }
0x2a: {  	v3 =	vld [tilespmem:s0+$0x80]  }
0x2b: {  	v4 =	vld [tilespmem:s0+$0x100]  }
0x2c: {  	v5 =	vld [tilespmem:s0+$0x180]  }
0x2d: {  	v6 =	vld [tilespmem:s0+$0x200]  }
0x2e: {  	v7 =	vld [tilespmem:s0+$0x280]  }
0x2f: {  	v8 =	vld [tilespmem:s0+$0x300];
	v3 =	vshll.u32 v3, $0x1  }
0x30: {  	v2 =	vadd.s32 v2, v3;
	v3 =	vshll.u32 v4, $0x2;
	v4 =	vld [tilespmem:s0+$0x380]  }
0x31: {  	v2 =	vadd.s32 v3, v2;
	v3 =	vshll.u32 v5, $0x3;
	v5 =	vld [tilespmem:s0+$0x1000]  }
0x32: {  	v2 =	vadd.s32 v3, v2;
	v3 =	vshll.u32 v6, $0x4;
	v6 =	vld [tilespmem:s0+$0x1080]  }
0x33: {  	v2 =	vadd.s32 v3, v2;
	v3 =	vshll.u32 v7, $0x5;
	v7 =	vld [tilespmem:s0+$0x1100]  }
0x34: {  	v2 =	vadd.s32 v3, v2;
	v3 =	vshll.u32 v8, $0x6;
	v8 =	vld [tilespmem:s0+$0x1180]  }
0x35: {  	v2 =	vadd.s32 v3, v2;
	v3 =	vshll.u32 v4, $0x7;
	v4 =	vld [tilespmem:s0+$0x1200]  }
0x36: {  	v2 =	vadd.s32 v3, v2;
	v3 =	vshll.u32 v5, $0x8;
	v5 =	vld [tilespmem:s0+$0x1280]  }
0x37: {  	v2 =	vadd.s32 v3, v2;
	v3 =	vshll.u32 v6, $0x9;
	v6 =	vld [tilespmem:s0+$0x1300]  }
0x38: {  	v9 =	vld [tilespmem:s0+$0x1380];
	v2 =	vadd.s32 v3, v2;
	v3 =	vshll.u32 v7, $0xA  }
0x39: {  	v2 =	vadd.s32 v3, v2;
	v7 =	vshll.u32 v8, $0xB;
	v3 =	vld [tilespmem:s0+$0x2000]  }
0x3a: {  	v2 =	vadd.s32 v7, v2;
	v7 =	vshll.u32 v4, $0xC;
	v4 =	vld [tilespmem:s0+$0x2080]  }
0x3b: {  	v2 =	vadd.s32 v7, v2;
	v7 =	vshll.u32 v5, $0xD;
	v5 =	vld [tilespmem:s0+$0x2100]  }
0x3c: {  	s2 =	simm.s32 $0x10;
	v7 =	vadd.s32 v7, v2;
	v8 =	vshll.u32 v6, $0xE;
	v6 =	vld [tilespmem:s0+$0x2180]  }
0x3d: {  	s18 =	simm.s32 $0x80;
	v2 =	vld [tilespmem:s2+$0x0];
	v7 =	vadd.s32 v8, v7;
	v8 =	vshll.u32 v9, $0xF  }
.LBB2_2:
0x3e: {  	p0 =	sne.s32 s18, $0x1C0;
	v9 =	vld [tilespmem:s2+$0x80];
	v7 =	vadd.s32 v8, v7;
	v3 =	vshll.u32 v3, $0x10  }
0x3f: {  	v8 =	vld [tilespmem:s2+$0x100];
	v3 =	vadd.s32 v3, v7;
	v4 =	vshll.u32 v4, $0x11  }
0x40: {  	v7 =	vld [tilespmem:s2+$0x180];
	v3 =	vadd.s32 v4, v3;
	v4 =	vshll.u32 v5, $0x12  }
0x41: {  	v5 =	vld [tilespmem:s2+$0x200];
	v3 =	vadd.s32 v4, v3;
	v4 =	vshll.u32 v6, $0x13  }
0x42: {  	v6 =	vld [tilespmem:s2+$0x280];
	v3 =	vadd.s32 v4, v3  }
0x43: {  	v4 =	vshll.u32 v9, $0x1;
	v9 =	vld [tilespmem:s2+$0x300];
	[tilespmem:s0+$0x3000] =	vst v3;
	s0 =	smov.u32 s2  }
0x44: {  	v2 =	vadd.s32 v2, v4;
	v3 =	vshll.u32 v8, $0x2;
	v4 =	vld [tilespmem:s0+$0x380]  }
0x45: {  	v2 =	vadd.s32 v3, v2;
	v3 =	vshll.u32 v7, $0x3;
	v7 =	vld [tilespmem:s0+$0x1000]  }
0x46: {  	v2 =	vadd.s32 v3, v2;
	v3 =	vshll.u32 v5, $0x4;
	v5 =	vld [tilespmem:s0+$0x1080]  }
0x47: {  	v2 =	vadd.s32 v3, v2;
	v3 =	vshll.u32 v6, $0x5;
	v6 =	vld [tilespmem:s0+$0x1100]  }
0x48: {  	v2 =	vadd.s32 v3, v2;
	v3 =	vshll.u32 v9, $0x6;
	v8 =	vld [tilespmem:s0+$0x1180]  }
0x49: {  	v2 =	vadd.s32 v3, v2;
	v3 =	vshll.u32 v4, $0x7;
	v4 =	vld [tilespmem:s0+$0x1200]  }
0x4a: {  	v2 =	vadd.s32 v3, v2;
	v3 =	vshll.u32 v7, $0x8;
	v7 =	vld [tilespmem:s0+$0x1280]  }
0x4b: {  	v2 =	vadd.s32 v3, v2;
	v3 =	vshll.u32 v5, $0x9;
	v9 =	vld [tilespmem:s0+$0x1300]  }
0x4c: {  	v2 =	vadd.s32 v3, v2;
	v3 =	vshll.u32 v6, $0xA;
	v10 =	vld [tilespmem:s0+$0x1380]  }
.Ltmp0:
0x4d: {  	v2 =	vadd.s32 v3, v2;
	v5 =	vshll.u32 v8, $0xB;
	v3 =	vld [tilespmem:s0+$0x2000];
	(pc) =	sbr.rel @p0 .LBB2_2-.Ltmp0, $4  }
0x4e: {  	v2 =	vadd.s32 v5, v2;
	v5 =	vshll.u32 v4, $0xC;
	v4 =	vld [tilespmem:s0+$0x2080]  }
0x4f: {  	v2 =	vadd.s32 v5, v2;
	v6 =	vshll.u32 v7, $0xD;
	v5 =	vld [tilespmem:s0+$0x2100]  }
0x50: {  	s2 =	sshra.s32 s18, $0x2;
	v7 =	vadd.s32 v6, v2;
	v8 =	vshll.u32 v9, $0xE;
	v6 =	vld [tilespmem:s0+$0x2180]  }
0x51: {  	s18 =	sadd.s32 $0x40, s18;
	v2 =	vld [tilespmem:s2+$0x0];
	v7 =	vadd.s32 v8, v7;
	v8 =	vshll.u32 v10, $0xF  }
0x52: {  	v9 =	vld [tilespmem:s2+$0x80];
	v7 =	vadd.s32 v8, v7;
	v3 =	vshll.u32 v3, $0x10  }
0x53: {  	v8 =	vld [tilespmem:s2+$0x100];
	v3 =	vadd.s32 v3, v7;
	v4 =	vshll.u32 v4, $0x11  }
0x54: {  	v7 =	vld [tilespmem:s2+$0x180];
	v3 =	vadd.s32 v4, v3;
	v4 =	vshll.u32 v5, $0x12  }
0x55: {  	v5 =	vld [tilespmem:s2+$0x200];
	v3 =	vadd.s32 v4, v3;
	v4 =	vshll.u32 v6, $0x13  }
0x56: {  	v6 =	vld [tilespmem:s2+$0x280];
	v3 =	vadd.s32 v4, v3  }
0x57: {  	v4 =	vld [tilespmem:s2+$0x300];
	v9 =	vshll.u32 v9, $0x1;
	[tilespmem:s0+$0x3000] =	vst v3  }
0x58: {  	v3 =	vshll.u32 v8, $0x2;
	v2 =	vadd.s32 v2, v9;
	v8 =	vld [tilespmem:s2+$0x380]  }
0x59: {  	v2 =	vadd.s32 v3, v2;
	v3 =	vshll.u32 v7, $0x3;
	v7 =	vld [tilespmem:s2+$0x1000]  }
0x5a: {  	v2 =	vadd.s32 v3, v2;
	v3 =	vshll.u32 v5, $0x4;
	v5 =	vld [tilespmem:s2+$0x1080]  }
0x5b: {  	v2 =	vadd.s32 v3, v2;
	v3 =	vshll.u32 v6, $0x5;
	v6 =	vld [tilespmem:s2+$0x1100]  }
0x5c: {  	v2 =	vadd.s32 v3, v2;
	v3 =	vshll.u32 v4, $0x6;
	v4 =	vld [tilespmem:s2+$0x1180]  }
0x5d: {  	v2 =	vadd.s32 v3, v2;
	v3 =	vshll.u32 v8, $0x7;
	v8 =	vld [tilespmem:s2+$0x1200]  }
0x5e: {  	v2 =	vadd.s32 v3, v2;
	v3 =	vshll.u32 v7, $0x8;
	v7 =	vld [tilespmem:s2+$0x1280]  }
0x5f: {  	v2 =	vadd.s32 v3, v2;
	v3 =	vshll.u32 v5, $0x9;
	v5 =	vld [tilespmem:s2+$0x1300]  }
0x60: {  	v2 =	vadd.s32 v3, v2;
	v3 =	vshll.u32 v6, $0xA;
	v6 =	vld [tilespmem:s2+$0x1380]  }
0x61: {  	v2 =	vadd.s32 v3, v2;
	v3 =	vshll.u32 v4, $0xB;
	v4 =	vld [tilespmem:s2+$0x2000]  }
0x62: {  	v2 =	vadd.s32 v3, v2;
	v3 =	vshll.u32 v8, $0xC;
	v8 =	vld [tilespmem:s2+$0x2080]  }
0x63: {  	v2 =	vadd.s32 v3, v2;
	v3 =	vshll.u32 v7, $0xD;
	v7 =	vld [tilespmem:s2+$0x2100]  }
0x64: {  	v2 =	vadd.s32 v3, v2;
	v3 =	vshll.u32 v5, $0xE;
	v5 =	vld [tilespmem:s2+$0x2180]  }
0x65: {  	v2 =	vadd.s32 v3, v2;
	v3 =	vshll.u32 v6, $0xF  }
0x66: {  	v2 =	vadd.s32 v3, v2;
	v3 =	vshll.u32 v4, $0x10  }
0x67: {  	v2 =	vadd.s32 v3, v2;
	v3 =	vshll.u32 v8, $0x11  }
0x68: {  	v2 =	vadd.s32 v3, v2;
	v3 =	vshll.u32 v7, $0x12  }
0x69: {  	v2 =	vadd.s32 v3, v2;
	v3 =	vshll.u32 v5, $0x13  }
0x6a: {  	v2 =	vadd.s32 v3, v2  }
0x6b: {  	s22 =	simm.s32 $0x3000;
	s29 =	simm.s32 $0x3200;
	[tilespmem:s2+$0x3000] =	vst v2  }
0x6c: {  	[tilespmem:s29], [sflag:$0x2] =	stream.indirect.gather [hbm4b:s1+s31], $0x1, s22, s31, $0xb8;
	[tilespmem:$0x3800] =	vst v63  }
0x6d: {  	_ =	swait.ge [sflag:s30], $0xC00  }
0x6e: {  	[sflag:s30] =	ssyncset.done $0x0  }
0x6f: {  	s0 =	simm.s32 $0x0;
	[sflag:s30] =	ssyncadd.s32 $0xFFFFF400  }
0x70: {  	v2 =	vld [tilespmem:s0+$0x400]  }
0x71: {  	v3 =	vld [tilespmem:s0+$0x480]  }
0x72: {  	v4 =	vld [tilespmem:s0+$0x500]  }
0x73: {  	v5 =	vld [tilespmem:s0+$0x580]  }
0x74: {  	v6 =	vld [tilespmem:s0+$0x600]  }
0x75: {  	v7 =	vld [tilespmem:s0+$0x680]  }
0x76: {  	v8 =	vld [tilespmem:s0+$0x700];
	v3 =	vshll.u32 v3, $0x1  }
0x77: {  	v2 =	vadd.s32 v2, v3;
	v3 =	vshll.u32 v4, $0x2;
	v4 =	vld [tilespmem:s0+$0x780]  }
0x78: {  	v2 =	vadd.s32 v3, v2;
	v3 =	vshll.u32 v5, $0x3;
	v5 =	vld [tilespmem:s0+$0x1400]  }
0x79: {  	v2 =	vadd.s32 v3, v2;
	v3 =	vshll.u32 v6, $0x4;
	v6 =	vld [tilespmem:s0+$0x1480]  }
0x7a: {  	v2 =	vadd.s32 v3, v2;
	v3 =	vshll.u32 v7, $0x5;
	v7 =	vld [tilespmem:s0+$0x1500]  }
0x7b: {  	v2 =	vadd.s32 v3, v2;
	v3 =	vshll.u32 v8, $0x6;
	v8 =	vld [tilespmem:s0+$0x1580]  }
0x7c: {  	v2 =	vadd.s32 v3, v2;
	v3 =	vshll.u32 v4, $0x7;
	v4 =	vld [tilespmem:s0+$0x1600]  }
0x7d: {  	v2 =	vadd.s32 v3, v2;
	v3 =	vshll.u32 v5, $0x8;
	v5 =	vld [tilespmem:s0+$0x1680]  }
0x7e: {  	v2 =	vadd.s32 v3, v2;
	v3 =	vshll.u32 v6, $0x9;
	v6 =	vld [tilespmem:s0+$0x1700]  }
0x7f: {  	v9 =	vld [tilespmem:s0+$0x1780];
	v2 =	vadd.s32 v3, v2;
	v3 =	vshll.u32 v7, $0xA  }
0x80: {  	v2 =	vadd.s32 v3, v2;
	v7 =	vshll.u32 v8, $0xB;
	v3 =	vld [tilespmem:s0+$0x2400]  }
0x81: {  	v2 =	vadd.s32 v7, v2;
	v7 =	vshll.u32 v4, $0xC;
	v4 =	vld [tilespmem:s0+$0x2480]  }
0x82: {  	v2 =	vadd.s32 v7, v2;
	v7 =	vshll.u32 v5, $0xD;
	v5 =	vld [tilespmem:s0+$0x2500]  }
0x83: {  	s2 =	simm.s32 $0x10;
	v7 =	vadd.s32 v7, v2;
	v8 =	vshll.u32 v6, $0xE;
	v6 =	vld [tilespmem:s0+$0x2580]  }
0x84: {  	s18 =	simm.s32 $0x80;
	v2 =	vld [tilespmem:s2+$0x400];
	v7 =	vadd.s32 v8, v7;
	v8 =	vshll.u32 v9, $0xF  }
.LBB2_4:
0x85: {  	p0 =	sne.s32 s18, $0x1C0;
	v9 =	vld [tilespmem:s2+$0x480];
	v7 =	vadd.s32 v8, v7;
	v3 =	vshll.u32 v3, $0x10  }
0x86: {  	v8 =	vld [tilespmem:s2+$0x500];
	v3 =	vadd.s32 v3, v7;
	v4 =	vshll.u32 v4, $0x11  }
0x87: {  	v7 =	vld [tilespmem:s2+$0x580];
	v3 =	vadd.s32 v4, v3;
	v4 =	vshll.u32 v5, $0x12  }
0x88: {  	v5 =	vld [tilespmem:s2+$0x600];
	v3 =	vadd.s32 v4, v3;
	v4 =	vshll.u32 v6, $0x13  }
0x89: {  	v6 =	vld [tilespmem:s2+$0x680];
	v3 =	vadd.s32 v4, v3  }
0x8a: {  	v4 =	vshll.u32 v9, $0x1;
	v9 =	vld [tilespmem:s2+$0x700];
	[tilespmem:s0+$0x3080] =	vst v3;
	s0 =	smov.u32 s2  }
0x8b: {  	v2 =	vadd.s32 v2, v4;
	v3 =	vshll.u32 v8, $0x2;
	v4 =	vld [tilespmem:s0+$0x780]  }
0x8c: {  	v2 =	vadd.s32 v3, v2;
	v3 =	vshll.u32 v7, $0x3;
	v7 =	vld [tilespmem:s0+$0x1400]  }
0x8d: {  	v2 =	vadd.s32 v3, v2;
	v3 =	vshll.u32 v5, $0x4;
	v5 =	vld [tilespmem:s0+$0x1480]  }
0x8e: {  	v2 =	vadd.s32 v3, v2;
	v3 =	vshll.u32 v6, $0x5;
	v6 =	vld [tilespmem:s0+$0x1500]  }
0x8f: {  	v2 =	vadd.s32 v3, v2;
	v3 =	vshll.u32 v9, $0x6;
	v8 =	vld [tilespmem:s0+$0x1580]  }
0x90: {  	v2 =	vadd.s32 v3, v2;
	v3 =	vshll.u32 v4, $0x7;
	v4 =	vld [tilespmem:s0+$0x1600]  }
0x91: {  	v2 =	vadd.s32 v3, v2;
	v3 =	vshll.u32 v7, $0x8;
	v7 =	vld [tilespmem:s0+$0x1680]  }
0x92: {  	v2 =	vadd.s32 v3, v2;
	v3 =	vshll.u32 v5, $0x9;
	v9 =	vld [tilespmem:s0+$0x1700]  }
0x93: {  	v2 =	vadd.s32 v3, v2;
	v3 =	vshll.u32 v6, $0xA;
	v10 =	vld [tilespmem:s0+$0x1780]  }
.Ltmp1:
0x94: {  	v2 =	vadd.s32 v3, v2;
	v5 =	vshll.u32 v8, $0xB;
	v3 =	vld [tilespmem:s0+$0x2400];
	(pc) =	sbr.rel @p0 .LBB2_4-.Ltmp1, $4  }
0x95: {  	v2 =	vadd.s32 v5, v2;
	v5 =	vshll.u32 v4, $0xC;
	v4 =	vld [tilespmem:s0+$0x2480]  }
0x96: {  	v2 =	vadd.s32 v5, v2;
	v6 =	vshll.u32 v7, $0xD;
	v5 =	vld [tilespmem:s0+$0x2500]  }
0x97: {  	s2 =	sshra.s32 s18, $0x2;
	v7 =	vadd.s32 v6, v2;
	v8 =	vshll.u32 v9, $0xE;
	v6 =	vld [tilespmem:s0+$0x2580]  }
0x98: {  	s18 =	sadd.s32 $0x40, s18;
	v2 =	vld [tilespmem:s2+$0x400];
	v7 =	vadd.s32 v8, v7;
	v8 =	vshll.u32 v10, $0xF  }
0x99: {  	v9 =	vld [tilespmem:s2+$0x480];
	v7 =	vadd.s32 v8, v7;
	v3 =	vshll.u32 v3, $0x10  }
0x9a: {  	v8 =	vld [tilespmem:s2+$0x500];
	v3 =	vadd.s32 v3, v7;
	v4 =	vshll.u32 v4, $0x11  }
0x9b: {  	v7 =	vld [tilespmem:s2+$0x580];
	v3 =	vadd.s32 v4, v3;
	v4 =	vshll.u32 v5, $0x12  }
0x9c: {  	v5 =	vld [tilespmem:s2+$0x600];
	v3 =	vadd.s32 v4, v3;
	v4 =	vshll.u32 v6, $0x13  }
0x9d: {  	v6 =	vld [tilespmem:s2+$0x680];
	v3 =	vadd.s32 v4, v3  }
0x9e: {  	v4 =	vld [tilespmem:s2+$0x700];
	v9 =	vshll.u32 v9, $0x1;
	[tilespmem:s0+$0x3080] =	vst v3  }
0x9f: {  	v3 =	vshll.u32 v8, $0x2;
	v2 =	vadd.s32 v2, v9;
	v8 =	vld [tilespmem:s2+$0x780]  }
0xa0: {  	v2 =	vadd.s32 v3, v2;
	v3 =	vshll.u32 v7, $0x3;
	v7 =	vld [tilespmem:s2+$0x1400]  }
0xa1: {  	v2 =	vadd.s32 v3, v2;
	v3 =	vshll.u32 v5, $0x4;
	v5 =	vld [tilespmem:s2+$0x1480]  }
0xa2: {  	v2 =	vadd.s32 v3, v2;
	v3 =	vshll.u32 v6, $0x5;
	v6 =	vld [tilespmem:s2+$0x1500]  }
0xa3: {  	v2 =	vadd.s32 v3, v2;
	v3 =	vshll.u32 v4, $0x6;
	v4 =	vld [tilespmem:s2+$0x1580]  }
0xa4: {  	v2 =	vadd.s32 v3, v2;
	v3 =	vshll.u32 v8, $0x7;
	v8 =	vld [tilespmem:s2+$0x1600]  }
0xa5: {  	v2 =	vadd.s32 v3, v2;
	v3 =	vshll.u32 v7, $0x8;
	v7 =	vld [tilespmem:s2+$0x1680]  }
0xa6: {  	v2 =	vadd.s32 v3, v2;
	v3 =	vshll.u32 v5, $0x9;
	v5 =	vld [tilespmem:s2+$0x1700]  }
0xa7: {  	v2 =	vadd.s32 v3, v2;
	v3 =	vshll.u32 v6, $0xA;
	v6 =	vld [tilespmem:s2+$0x1780]  }
0xa8: {  	v2 =	vadd.s32 v3, v2;
	v3 =	vshll.u32 v4, $0xB;
	v4 =	vld [tilespmem:s2+$0x2400]  }
0xa9: {  	v2 =	vadd.s32 v3, v2;
	v3 =	vshll.u32 v8, $0xC;
	v8 =	vld [tilespmem:s2+$0x2480]  }
0xaa: {  	v2 =	vadd.s32 v3, v2;
	v3 =	vshll.u32 v7, $0xD;
	v7 =	vld [tilespmem:s2+$0x2500]  }
0xab: {  	v2 =	vadd.s32 v3, v2;
	v3 =	vshll.u32 v5, $0xE;
	v5 =	vld [tilespmem:s2+$0x2580]  }
0xac: {  	v2 =	vadd.s32 v3, v2;
	v3 =	vshll.u32 v6, $0xF  }
0xad: {  	v2 =	vadd.s32 v3, v2;
	v3 =	vshll.u32 v4, $0x10  }
0xae: {  	v2 =	vadd.s32 v3, v2;
	v3 =	vshll.u32 v8, $0x11  }
0xaf: {  	v2 =	vadd.s32 v3, v2;
	v3 =	vshll.u32 v7, $0x12  }
0xb0: {  	v2 =	vadd.s32 v3, v2;
	v3 =	vshll.u32 v5, $0x13  }
0xb1: {  	v2 =	vadd.s32 v3, v2  }
0xb2: {  	s22 =	simm.s32 $0x3080;
	s29 =	simm.s32 $0x3280;
	[tilespmem:s2+$0x3080] =	vst v2  }
0xb3: {  	[tilespmem:s29], [sflag:$0x2] =	stream.indirect.gather [hbm4b:s1+s31], $0x1, s22, s31, $0xb8;
	[tilespmem:$0x3800] =	vst v63  }
0xb4: {  	_ =	swait.ge [sflag:s30], $0xC00  }
0xb5: {  	[sflag:s30] =	ssyncset.done $0x0  }
0xb6: {  	s0 =	simm.s32 $0x0;
	[sflag:s30] =	ssyncadd.s32 $0xFFFFF400  }
0xb7: {  	v2 =	vld [tilespmem:s0+$0x800]  }
0xb8: {  	v3 =	vld [tilespmem:s0+$0x880]  }
0xb9: {  	v4 =	vld [tilespmem:s0+$0x900]  }
0xba: {  	v5 =	vld [tilespmem:s0+$0x980]  }
0xbb: {  	v6 =	vld [tilespmem:s0+$0xA00]  }
0xbc: {  	v7 =	vld [tilespmem:s0+$0xA80]  }
0xbd: {  	v8 =	vld [tilespmem:s0+$0xB00];
	v3 =	vshll.u32 v3, $0x1  }
0xbe: {  	v2 =	vadd.s32 v2, v3;
	v3 =	vshll.u32 v4, $0x2;
	v4 =	vld [tilespmem:s0+$0xB80]  }
0xbf: {  	v2 =	vadd.s32 v3, v2;
	v3 =	vshll.u32 v5, $0x3;
	v5 =	vld [tilespmem:s0+$0x1800]  }
0xc0: {  	v2 =	vadd.s32 v3, v2;
	v3 =	vshll.u32 v6, $0x4;
	v6 =	vld [tilespmem:s0+$0x1880]  }
0xc1: {  	v2 =	vadd.s32 v3, v2;
	v3 =	vshll.u32 v7, $0x5;
	v7 =	vld [tilespmem:s0+$0x1900]  }
0xc2: {  	v2 =	vadd.s32 v3, v2;
	v3 =	vshll.u32 v8, $0x6;
	v8 =	vld [tilespmem:s0+$0x1980]  }
0xc3: {  	v2 =	vadd.s32 v3, v2;
	v3 =	vshll.u32 v4, $0x7;
	v4 =	vld [tilespmem:s0+$0x1A00]  }
0xc4: {  	v2 =	vadd.s32 v3, v2;
	v3 =	vshll.u32 v5, $0x8;
	v5 =	vld [tilespmem:s0+$0x1A80]  }
0xc5: {  	v2 =	vadd.s32 v3, v2;
	v3 =	vshll.u32 v6, $0x9;
	v6 =	vld [tilespmem:s0+$0x1B00]  }
0xc6: {  	v9 =	vld [tilespmem:s0+$0x1B80];
	v2 =	vadd.s32 v3, v2;
	v3 =	vshll.u32 v7, $0xA  }
0xc7: {  	v2 =	vadd.s32 v3, v2;
	v7 =	vshll.u32 v8, $0xB;
	v3 =	vld [tilespmem:s0+$0x2800]  }
0xc8: {  	v2 =	vadd.s32 v7, v2;
	v7 =	vshll.u32 v4, $0xC;
	v4 =	vld [tilespmem:s0+$0x2880]  }
0xc9: {  	v2 =	vadd.s32 v7, v2;
	v7 =	vshll.u32 v5, $0xD;
	v5 =	vld [tilespmem:s0+$0x2900]  }
0xca: {  	s2 =	simm.s32 $0x10;
	v7 =	vadd.s32 v7, v2;
	v8 =	vshll.u32 v6, $0xE;
	v6 =	vld [tilespmem:s0+$0x2980]  }
0xcb: {  	s18 =	simm.s32 $0x80;
	v2 =	vld [tilespmem:s2+$0x800];
	v7 =	vadd.s32 v8, v7;
	v8 =	vshll.u32 v9, $0xF  }
.LBB2_6:
0xcc: {  	p0 =	sne.s32 s18, $0x1C0;
	v9 =	vld [tilespmem:s2+$0x880];
	v7 =	vadd.s32 v8, v7;
	v3 =	vshll.u32 v3, $0x10  }
0xcd: {  	v8 =	vld [tilespmem:s2+$0x900];
	v3 =	vadd.s32 v3, v7;
	v4 =	vshll.u32 v4, $0x11  }
0xce: {  	v7 =	vld [tilespmem:s2+$0x980];
	v3 =	vadd.s32 v4, v3;
	v4 =	vshll.u32 v5, $0x12  }
0xcf: {  	v5 =	vld [tilespmem:s2+$0xA00];
	v3 =	vadd.s32 v4, v3;
	v4 =	vshll.u32 v6, $0x13  }
0xd0: {  	v6 =	vld [tilespmem:s2+$0xA80];
	v3 =	vadd.s32 v4, v3  }
0xd1: {  	v4 =	vshll.u32 v9, $0x1;
	v9 =	vld [tilespmem:s2+$0xB00];
	[tilespmem:s0+$0x3100] =	vst v3;
	s0 =	smov.u32 s2  }
0xd2: {  	v2 =	vadd.s32 v2, v4;
	v3 =	vshll.u32 v8, $0x2;
	v4 =	vld [tilespmem:s0+$0xB80]  }
0xd3: {  	v2 =	vadd.s32 v3, v2;
	v3 =	vshll.u32 v7, $0x3;
	v7 =	vld [tilespmem:s0+$0x1800]  }
0xd4: {  	v2 =	vadd.s32 v3, v2;
	v3 =	vshll.u32 v5, $0x4;
	v5 =	vld [tilespmem:s0+$0x1880]  }
0xd5: {  	v2 =	vadd.s32 v3, v2;
	v3 =	vshll.u32 v6, $0x5;
	v6 =	vld [tilespmem:s0+$0x1900]  }
0xd6: {  	v2 =	vadd.s32 v3, v2;
	v3 =	vshll.u32 v9, $0x6;
	v8 =	vld [tilespmem:s0+$0x1980]  }
0xd7: {  	v2 =	vadd.s32 v3, v2;
	v3 =	vshll.u32 v4, $0x7;
	v4 =	vld [tilespmem:s0+$0x1A00]  }
0xd8: {  	v2 =	vadd.s32 v3, v2;
	v3 =	vshll.u32 v7, $0x8;
	v7 =	vld [tilespmem:s0+$0x1A80]  }
0xd9: {  	v2 =	vadd.s32 v3, v2;
	v3 =	vshll.u32 v5, $0x9;
	v9 =	vld [tilespmem:s0+$0x1B00]  }
0xda: {  	v2 =	vadd.s32 v3, v2;
	v3 =	vshll.u32 v6, $0xA;
	v10 =	vld [tilespmem:s0+$0x1B80]  }
.Ltmp2:
0xdb: {  	v2 =	vadd.s32 v3, v2;
	v5 =	vshll.u32 v8, $0xB;
	v3 =	vld [tilespmem:s0+$0x2800];
	(pc) =	sbr.rel @p0 .LBB2_6-.Ltmp2, $4  }
0xdc: {  	v2 =	vadd.s32 v5, v2;
	v5 =	vshll.u32 v4, $0xC;
	v4 =	vld [tilespmem:s0+$0x2880]  }
0xdd: {  	v2 =	vadd.s32 v5, v2;
	v6 =	vshll.u32 v7, $0xD;
	v5 =	vld [tilespmem:s0+$0x2900]  }
0xde: {  	s2 =	sshra.s32 s18, $0x2;
	v7 =	vadd.s32 v6, v2;
	v8 =	vshll.u32 v9, $0xE;
	v6 =	vld [tilespmem:s0+$0x2980]  }
0xdf: {  	s18 =	sadd.s32 $0x40, s18;
	v2 =	vld [tilespmem:s2+$0x800];
	v7 =	vadd.s32 v8, v7;
	v8 =	vshll.u32 v10, $0xF  }
0xe0: {  	v9 =	vld [tilespmem:s2+$0x880];
	v7 =	vadd.s32 v8, v7;
	v3 =	vshll.u32 v3, $0x10  }
0xe1: {  	v8 =	vld [tilespmem:s2+$0x900];
	v3 =	vadd.s32 v3, v7;
	v4 =	vshll.u32 v4, $0x11  }
0xe2: {  	v7 =	vld [tilespmem:s2+$0x980];
	v3 =	vadd.s32 v4, v3;
	v4 =	vshll.u32 v5, $0x12  }
0xe3: {  	v5 =	vld [tilespmem:s2+$0xA00];
	v3 =	vadd.s32 v4, v3;
	v4 =	vshll.u32 v6, $0x13  }
0xe4: {  	v6 =	vld [tilespmem:s2+$0xA80];
	v3 =	vadd.s32 v4, v3  }
0xe5: {  	v4 =	vld [tilespmem:s2+$0xB00];
	v9 =	vshll.u32 v9, $0x1;
	[tilespmem:s0+$0x3100] =	vst v3  }
0xe6: {  	v3 =	vshll.u32 v8, $0x2;
	v2 =	vadd.s32 v2, v9;
	v8 =	vld [tilespmem:s2+$0xB80]  }
0xe7: {  	v2 =	vadd.s32 v3, v2;
	v3 =	vshll.u32 v7, $0x3;
	v7 =	vld [tilespmem:s2+$0x1800]  }
0xe8: {  	v2 =	vadd.s32 v3, v2;
	v3 =	vshll.u32 v5, $0x4;
	v5 =	vld [tilespmem:s2+$0x1880]  }
0xe9: {  	v2 =	vadd.s32 v3, v2;
	v3 =	vshll.u32 v6, $0x5;
	v6 =	vld [tilespmem:s2+$0x1900]  }
0xea: {  	v2 =	vadd.s32 v3, v2;
	v3 =	vshll.u32 v4, $0x6;
	v4 =	vld [tilespmem:s2+$0x1980]  }
0xeb: {  	v2 =	vadd.s32 v3, v2;
	v3 =	vshll.u32 v8, $0x7;
	v8 =	vld [tilespmem:s2+$0x1A00]  }
0xec: {  	v2 =	vadd.s32 v3, v2;
	v3 =	vshll.u32 v7, $0x8;
	v7 =	vld [tilespmem:s2+$0x1A80]  }
0xed: {  	v2 =	vadd.s32 v3, v2;
	v3 =	vshll.u32 v5, $0x9;
	v5 =	vld [tilespmem:s2+$0x1B00]  }
0xee: {  	v2 =	vadd.s32 v3, v2;
	v3 =	vshll.u32 v6, $0xA;
	v6 =	vld [tilespmem:s2+$0x1B80]  }
0xef: {  	v2 =	vadd.s32 v3, v2;
	v3 =	vshll.u32 v4, $0xB;
	v4 =	vld [tilespmem:s2+$0x2800]  }
0xf0: {  	v2 =	vadd.s32 v3, v2;
	v3 =	vshll.u32 v8, $0xC;
	v8 =	vld [tilespmem:s2+$0x2880]  }
0xf1: {  	v2 =	vadd.s32 v3, v2;
	v3 =	vshll.u32 v7, $0xD;
	v7 =	vld [tilespmem:s2+$0x2900]  }
0xf2: {  	v2 =	vadd.s32 v3, v2;
	v3 =	vshll.u32 v5, $0xE;
	v5 =	vld [tilespmem:s2+$0x2980]  }
0xf3: {  	v2 =	vadd.s32 v3, v2;
	v3 =	vshll.u32 v6, $0xF  }
0xf4: {  	v2 =	vadd.s32 v3, v2;
	v3 =	vshll.u32 v4, $0x10  }
0xf5: {  	v2 =	vadd.s32 v3, v2;
	v3 =	vshll.u32 v8, $0x11  }
0xf6: {  	v2 =	vadd.s32 v3, v2;
	v3 =	vshll.u32 v7, $0x12  }
0xf7: {  	v2 =	vadd.s32 v3, v2;
	v3 =	vshll.u32 v5, $0x13  }
0xf8: {  	v2 =	vadd.s32 v3, v2  }
0xf9: {  	s22 =	simm.s32 $0x3100;
	s29 =	simm.s32 $0x3300;
	[tilespmem:s2+$0x3100] =	vst v2  }
0xfa: {  	[tilespmem:s29], [sflag:$0x2] =	stream.indirect.gather [hbm4b:s1+s31], $0x1, s22, s31, $0xb8;
	[tilespmem:$0x3800] =	vst v63  }
0xfb: {  	_ =	swait.ge [sflag:s30], $0xC00  }
0xfc: {  	[sflag:s30] =	ssyncset.done $0x0  }
0xfd: {  	s0 =	simm.s32 $0x0;
	[sflag:s30] =	ssyncadd.s32 $0xFFFFF400  }
0xfe: {  	v2 =	vld [tilespmem:s0+$0xC00]  }
0xff: {  	v3 =	vld [tilespmem:s0+$0xC80]  }
0x100: {  	v4 =	vld [tilespmem:s0+$0xD00]  }
0x101: {  	v5 =	vld [tilespmem:s0+$0xD80]  }
0x102: {  	v6 =	vld [tilespmem:s0+$0xE00]  }
0x103: {  	v7 =	vld [tilespmem:s0+$0xE80]  }
0x104: {  	v8 =	vld [tilespmem:s0+$0xF00];
	v3 =	vshll.u32 v3, $0x1  }
0x105: {  	v2 =	vadd.s32 v2, v3;
	v3 =	vshll.u32 v4, $0x2;
	v4 =	vld [tilespmem:s0+$0xF80]  }
0x106: {  	v2 =	vadd.s32 v3, v2;
	v3 =	vshll.u32 v5, $0x3;
	v5 =	vld [tilespmem:s0+$0x1C00]  }
0x107: {  	v2 =	vadd.s32 v3, v2;
	v3 =	vshll.u32 v6, $0x4;
	v6 =	vld [tilespmem:s0+$0x1C80]  }
0x108: {  	v2 =	vadd.s32 v3, v2;
	v3 =	vshll.u32 v7, $0x5;
	v7 =	vld [tilespmem:s0+$0x1D00]  }
0x109: {  	v2 =	vadd.s32 v3, v2;
	v3 =	vshll.u32 v8, $0x6;
	v8 =	vld [tilespmem:s0+$0x1D80]  }
0x10a: {  	v2 =	vadd.s32 v3, v2;
	v3 =	vshll.u32 v4, $0x7;
	v4 =	vld [tilespmem:s0+$0x1E00]  }
0x10b: {  	v2 =	vadd.s32 v3, v2;
	v3 =	vshll.u32 v5, $0x8;
	v5 =	vld [tilespmem:s0+$0x1E80]  }
0x10c: {  	v2 =	vadd.s32 v3, v2;
	v3 =	vshll.u32 v6, $0x9;
	v6 =	vld [tilespmem:s0+$0x1F00]  }
0x10d: {  	v9 =	vld [tilespmem:s0+$0x1F80];
	v2 =	vadd.s32 v3, v2;
	v3 =	vshll.u32 v7, $0xA  }
0x10e: {  	v2 =	vadd.s32 v3, v2;
	v7 =	vshll.u32 v8, $0xB;
	v3 =	vld [tilespmem:s0+$0x2C00]  }
0x10f: {  	v2 =	vadd.s32 v7, v2;
	v7 =	vshll.u32 v4, $0xC;
	v4 =	vld [tilespmem:s0+$0x2C80]  }
0x110: {  	v2 =	vadd.s32 v7, v2;
	v7 =	vshll.u32 v5, $0xD;
	v5 =	vld [tilespmem:s0+$0x2D00]  }
0x111: {  	s2 =	simm.s32 $0x10;
	v7 =	vadd.s32 v7, v2;
	v8 =	vshll.u32 v6, $0xE;
	v6 =	vld [tilespmem:s0+$0x2D80]  }
0x112: {  	s18 =	simm.s32 $0x80;
	v2 =	vld [tilespmem:s2+$0xC00];
	v7 =	vadd.s32 v8, v7;
	v8 =	vshll.u32 v9, $0xF  }
.LBB2_8:
0x113: {  	p0 =	sne.s32 s18, $0x1C0;
	v9 =	vld [tilespmem:s2+$0xC80];
	v7 =	vadd.s32 v8, v7;
	v3 =	vshll.u32 v3, $0x10  }
0x114: {  	v8 =	vld [tilespmem:s2+$0xD00];
	v3 =	vadd.s32 v3, v7;
	v4 =	vshll.u32 v4, $0x11  }
0x115: {  	v7 =	vld [tilespmem:s2+$0xD80];
	v3 =	vadd.s32 v4, v3;
	v4 =	vshll.u32 v5, $0x12  }
0x116: {  	v5 =	vld [tilespmem:s2+$0xE00];
	v3 =	vadd.s32 v4, v3;
	v4 =	vshll.u32 v6, $0x13  }
0x117: {  	v6 =	vld [tilespmem:s2+$0xE80];
	v3 =	vadd.s32 v4, v3  }
0x118: {  	v4 =	vshll.u32 v9, $0x1;
	v9 =	vld [tilespmem:s2+$0xF00];
	[tilespmem:s0+$0x3180] =	vst v3;
	s0 =	smov.u32 s2  }
0x119: {  	v2 =	vadd.s32 v2, v4;
	v3 =	vshll.u32 v8, $0x2;
	v4 =	vld [tilespmem:s0+$0xF80]  }
0x11a: {  	v2 =	vadd.s32 v3, v2;
	v3 =	vshll.u32 v7, $0x3;
	v7 =	vld [tilespmem:s0+$0x1C00]  }
0x11b: {  	v2 =	vadd.s32 v3, v2;
	v3 =	vshll.u32 v5, $0x4;
	v5 =	vld [tilespmem:s0+$0x1C80]  }
0x11c: {  	v2 =	vadd.s32 v3, v2;
	v3 =	vshll.u32 v6, $0x5;
	v6 =	vld [tilespmem:s0+$0x1D00]  }
0x11d: {  	v2 =	vadd.s32 v3, v2;
	v3 =	vshll.u32 v9, $0x6;
	v8 =	vld [tilespmem:s0+$0x1D80]  }
0x11e: {  	v2 =	vadd.s32 v3, v2;
	v3 =	vshll.u32 v4, $0x7;
	v4 =	vld [tilespmem:s0+$0x1E00]  }
0x11f: {  	v2 =	vadd.s32 v3, v2;
	v3 =	vshll.u32 v7, $0x8;
	v7 =	vld [tilespmem:s0+$0x1E80]  }
0x120: {  	v2 =	vadd.s32 v3, v2;
	v3 =	vshll.u32 v5, $0x9;
	v9 =	vld [tilespmem:s0+$0x1F00]  }
0x121: {  	v2 =	vadd.s32 v3, v2;
	v3 =	vshll.u32 v6, $0xA;
	v10 =	vld [tilespmem:s0+$0x1F80]  }
.Ltmp3:
0x122: {  	v2 =	vadd.s32 v3, v2;
	v5 =	vshll.u32 v8, $0xB;
	v3 =	vld [tilespmem:s0+$0x2C00];
	(pc) =	sbr.rel @p0 .LBB2_8-.Ltmp3, $4  }
0x123: {  	v2 =	vadd.s32 v5, v2;
	v5 =	vshll.u32 v4, $0xC;
	v4 =	vld [tilespmem:s0+$0x2C80]  }
0x124: {  	v2 =	vadd.s32 v5, v2;
	v6 =	vshll.u32 v7, $0xD;
	v5 =	vld [tilespmem:s0+$0x2D00]  }
0x125: {  	s2 =	sshra.s32 s18, $0x2;
	v7 =	vadd.s32 v6, v2;
	v8 =	vshll.u32 v9, $0xE;
	v6 =	vld [tilespmem:s0+$0x2D80]  }
0x126: {  	s18 =	sadd.s32 $0x40, s18;
	v2 =	vld [tilespmem:s2+$0xC00];
	v7 =	vadd.s32 v8, v7;
	v8 =	vshll.u32 v10, $0xF  }
0x127: {  	v9 =	vld [tilespmem:s2+$0xC80];
	v7 =	vadd.s32 v8, v7;
	v3 =	vshll.u32 v3, $0x10  }
0x128: {  	v8 =	vld [tilespmem:s2+$0xD00];
	v3 =	vadd.s32 v3, v7;
	v4 =	vshll.u32 v4, $0x11  }
0x129: {  	v7 =	vld [tilespmem:s2+$0xD80];
	v3 =	vadd.s32 v4, v3;
	v4 =	vshll.u32 v5, $0x12  }
0x12a: {  	v5 =	vld [tilespmem:s2+$0xE00];
	v3 =	vadd.s32 v4, v3;
	v4 =	vshll.u32 v6, $0x13  }
0x12b: {  	v6 =	vld [tilespmem:s2+$0xE80];
	v3 =	vadd.s32 v4, v3  }
0x12c: {  	v4 =	vld [tilespmem:s2+$0xF00];
	v9 =	vshll.u32 v9, $0x1;
	[tilespmem:s0+$0x3180] =	vst v3  }
0x12d: {  	v3 =	vshll.u32 v8, $0x2;
	v2 =	vadd.s32 v2, v9;
	v8 =	vld [tilespmem:s2+$0xF80]  }
0x12e: {  	v2 =	vadd.s32 v3, v2;
	v3 =	vshll.u32 v7, $0x3;
	v7 =	vld [tilespmem:s2+$0x1C00]  }
0x12f: {  	v2 =	vadd.s32 v3, v2;
	v3 =	vshll.u32 v5, $0x4;
	v5 =	vld [tilespmem:s2+$0x1C80]  }
0x130: {  	v2 =	vadd.s32 v3, v2;
	v3 =	vshll.u32 v6, $0x5;
	v6 =	vld [tilespmem:s2+$0x1D00]  }
0x131: {  	v2 =	vadd.s32 v3, v2;
	v3 =	vshll.u32 v4, $0x6;
	v4 =	vld [tilespmem:s2+$0x1D80]  }
0x132: {  	v2 =	vadd.s32 v3, v2;
	v3 =	vshll.u32 v8, $0x7;
	v8 =	vld [tilespmem:s2+$0x1E00]  }
0x133: {  	v2 =	vadd.s32 v3, v2;
	v3 =	vshll.u32 v7, $0x8;
	v7 =	vld [tilespmem:s2+$0x1E80]  }
0x134: {  	v2 =	vadd.s32 v3, v2;
	v3 =	vshll.u32 v5, $0x9;
	v5 =	vld [tilespmem:s2+$0x1F00]  }
0x135: {  	v2 =	vadd.s32 v3, v2;
	v3 =	vshll.u32 v6, $0xA;
	v6 =	vld [tilespmem:s2+$0x1F80]  }
0x136: {  	v2 =	vadd.s32 v3, v2;
	v3 =	vshll.u32 v4, $0xB;
	v4 =	vld [tilespmem:s2+$0x2C00]  }
0x137: {  	v2 =	vadd.s32 v3, v2;
	v3 =	vshll.u32 v8, $0xC;
	v8 =	vld [tilespmem:s2+$0x2C80]  }
0x138: {  	v2 =	vadd.s32 v3, v2;
	v3 =	vshll.u32 v7, $0xD;
	v7 =	vld [tilespmem:s2+$0x2D00]  }
0x139: {  	v2 =	vadd.s32 v3, v2;
	v3 =	vshll.u32 v5, $0xE;
	v5 =	vld [tilespmem:s2+$0x2D80]  }
0x13a: {  	v2 =	vadd.s32 v3, v2;
	v3 =	vshll.u32 v6, $0xF  }
0x13b: {  	v2 =	vadd.s32 v3, v2;
	v3 =	vshll.u32 v4, $0x10  }
0x13c: {  	v2 =	vadd.s32 v3, v2;
	v3 =	vshll.u32 v8, $0x11  }
0x13d: {  	v2 =	vadd.s32 v3, v2;
	v3 =	vshll.u32 v7, $0x12  }
0x13e: {  	v2 =	vadd.s32 v3, v2;
	v3 =	vshll.u32 v5, $0x13  }
0x13f: {  	v2 =	vadd.s32 v3, v2  }
0x140: {  	s22 =	simm.s32 $0x3180;
	[tilespmem:s2+$0x3180] =	vst v2  }
0x141: {  	[tilespmem:s23], [sflag:$0x2] =	stream.indirect.gather [hbm4b:s1+s31], $0x1, s22, s31, $0xb8;
	[tilespmem:$0x3800] =	vst v63  }
0x142: {  	_ =	swait.ge [sflag:s24], $0x80  }
0x143: {  	[sflag:s24] =	ssyncset.done $0x0  }
0x144: {  	s2 =	simm.s32 $0x0;
	[sflag:s24] =	ssyncadd.s32 $0xFFFFFF80  }
0x145: {  	v2 =	vld [tilespmem:s2+$0x3200];
	_ =	sdelay $0x4  }
0x146: {  	v3 =	vadd.f32 $1.000000000e-15, v2;
	_ =	sdelay $0x1  }
0x147: {  	v3 =	vand.u32 $0x7FFFFFFF, v3  }
0x148: {  	s29 =	simm.s32 $0x10;
	v4 =	vand.u32 $0x7FFFFF, v3  }
0x149: {  	v5 =	vld [tilespmem:s29+$0x3200];
	v4 =	vor.u32 $0x3F800000, v4  }
0x14a: {  	v6 =	vmul.f32 $5.000000000e-01, v4  }
0x14b: {  	vm0 =	vgt.f32 v4, $1.414213540e+00  }
0x14c: {  	v4 =	vsel vm0, v6, v4  }
0x14d: {  	v6 =	vadd.f32 $1.000000000e+00, v4  }
0x14e: {  	v7 =	vadd.f32 $1.000000000e-15, v5;
	vm1 =	vlt.s32 v2, $0x0  }
0x14f: {  	v2 =	vsel vm1, $0x40490FDB, v1;
	(erf) = vrcp.f32 v6  }
0x150: {  	s0 =	simm.s32 $0x20;
	[tilespmem:s2+$0x3480] =	vst v2;
	v6 =	vand.u32 $0x7FFFFFFF, v7  }
0x151: {  	v7 =	vld [tilespmem:s0+$0x3200];
	v2 =	vand.u32 $0x7FFFFF, v6  }
0x152: {  	v2 =	vor.u32 $0x3F800000, v2  }
0x153: {  	vm1 =	vlt.s32 v5, $0x0;
	v8 =	vmul.f32 $5.000000000e-01, v2  }
0x154: {  	v5 =	vsel vm1, $0x40490FDB, v1;
	vm2 =	vgt.f32 v2, $1.414213540e+00  }
0x155: {  	v8 =	vsel vm2, v8, v2;
	v2 =	vshrl.u32 v3, $0x17;
	v3 =	vsel vm0, $0xFFFFFF82, v0  }
0x156: {  	[tilespmem:s29+$0x3480] =	vst v5;
	v9 =	vadd.f32 $1.000000000e-15, v7;
	v5 =	vadd.f32 $1.000000000e+00, v8;
	v2 =	vadd.s32 v2, v3  }
0x157: {  	s18 =	simm.s32 $0x30;
	v4 =	vadd.f32 $-1.000000000e+00, v4;
	vm0 =	vlt.s32 v7, $0x0;
	v11 =	vcvt.s32.f32 v2  }
0x158: {  	v7 =	vld [tilespmem:s18+$0x3200];
	v2 =	vshrl.u32 v6, $0x17;
	(erf) = vrcp.f32 v5;
	v5 =	vand.u32 $0x7FFFFFFF, v9;
	v3 =	vpop (erf)  }
0x159: {  	v9 =	vmul.f32 v3, v4;
	v3 =	vsel vm2, $0xFFFFFF82, v0;
	v4 =	vand.u32 $0x7FFFFF, v5  }
0x15a: {  	v2 =	vadd.s32 v2, v3;
	v3 =	vor.u32 $0x3F800000, v4  }
0x15b: {  	v12 =	vmul.f32 $5.000000000e-01, v3  }
0x15c: {  	v10 =	vsel vm0, $0x40490FDB, v1;
	v4 =	vmul.f32 v9, v9;
	vm0 =	vgt.f32 v3, $1.414213540e+00  }
0x15d: {  	[tilespmem:s0+$0x3480] =	vst v10;
	v6 =	vadd.f32 $1.000000000e-15, v7;
	v10 =	vsel vm0, v12, v3  }
0x15e: {  	v14 =	vmul.f32 $2.857142980e-01, v4;
	v3 =	vshrl.u32 v5, $0x17;
	v5 =	vadd.f32 $1.000000000e+00, v10  }
0x15f: {  	s19 =	simm.s32 $0x40;
	v8 =	vadd.f32 $-1.000000000e+00, v8;
	v11 =	vmul.f32 $6.931471820e-01, v11  }
0x160: {  	v15 =	vld [tilespmem:s19+$0x3200];
	v13 =	vsel vm0, $0xFFFFFF82, v0;
	v12 =	vand.u32 $0x7FFFFFFF, v6;
	v6 =	vadd.f32 $4.000000060e-01, v14  }
0x161: {  	v2 =	vcvt.s32.f32 v2;
	vm0 =	vlt.s32 v7, $0x0;
	v3 =	vadd.s32 v3, v13  }
0x162: {  	v14 =	vand.u32 $0x7FFFFF, v12;
	(erf) = vrcp.f32 v5;
	v13 =	vmul.f32 v6, v4;
	v5 =	vpop (erf)  }
0x163: {  	v7 =	vsel vm0, $0x40490FDB, v1;
	v6 =	vmul.f32 v5, v8;
	v5 =	vor.u32 $0x3F800000, v14  }
0x164: {  	v13 =	vadd.f32 $6.666666860e-01, v13;
	vm0 =	vgt.f32 v5, $1.414213540e+00;
	v8 =	vmul.f32 $5.000000000e-01, v5  }
0x165: {  	s20 =	simm.s32 $0x50;
	[tilespmem:s18+$0x3480] =	vst v7;
	v14 =	vadd.f32 $1.000000000e-15, v15;
	v7 =	vmul.f32 v6, v6;
	v16 =	vsel vm0, $0xFFFFFF82, v0  }
0x166: {  	v4 =	vmul.f32 v13, v4;
	v8 =	vsel vm0, v8, v5;
	vm0 =	vlt.s32 v15, $0x0;
	v15 =	vld [tilespmem:s20+$0x3200]  }
0x167: {  	v10 =	vadd.f32 $-1.000000000e+00, v10;
	v12 =	vshrl.u32 v12, $0x17;
	v13 =	vmul.f32 $2.857142980e-01, v7  }
0x168: {  	v3 =	vcvt.s32.f32 v3;
	v12 =	vadd.s32 v12, v16;
	v63 =	vadd.f32 $2.000000000e+00, v4  }
0x169: {  	v4 =	vcvt.s32.f32 v12;
	v12 =	vadd.f32 $1.000000000e+00, v8;
	v13 =	vadd.f32 $4.000000060e-01, v13  }
0x16a: {  	v5 =	vand.u32 $0x7FFFFFFF, v14;
	v14 =	vsel vm0, $0x40490FDB, v1;
	v16 =	vmul.f32 v63, v9  }
0x16b: {  	(erf) = vrcp.f32 v12;
	v9 =	vpop (erf);
	v17 =	vadd.f32 $1.000000000e-15, v15;
	v12 =	vmul.f32 v13, v7  }
0x16c: {  	s21 =	simm.s32 $0x180;
	[tilespmem:s19+$0x3480] =	vst v14;
	v9 =	vmul.f32 v9, v10;
	vm0 =	vlt.s32 v15, $0x0;
	v10 =	vadd.f32 v16, v11  }
0x16d: {  	v13 =	vand.u32 $0x7FFFFF, v5;
	v11 =	vand.u32 $0x7FFFFFFF, v17;
	v12 =	vadd.f32 $6.666666860e-01, v12  }
.LBB2_10:
0x16e: {  	s22 =	sshra.s32 s21, $0x2;
	p0 =	sne.s32 s21, $0x1C0;
	s21 =	sadd.s32 $0x40, s21;
	v14 =	vsel vm0, $0x40490FDB, v1;
	v13 =	vor.u32 $0x3F800000, v13;
	v15 =	vmul.f32 v9, v9;
	[tilespmem:s2+$0x3400] =	vst v10;
	v16 =	vmovc v9  }
0x16f: {  	s2 =	smov.u32 s29;
	s29 =	smov.u32 s0;
	s0 =	smov.u32 s18;
	v9 =	vld [tilespmem:s22+$0x3200];
	[tilespmem:s20+$0x3480] =	vst v14;
	vm0 =	vgt.f32 v13, $1.414213540e+00;
	v10 =	vmul.f32 $5.000000000e-01, v13;
	v12 =	vmul.f32 v12, v7  }
0x170: {  	s18 =	smov.u32 s19;
	s19 =	smov.u32 s20;
	v14 =	vshrl.u32 v5, $0x17;
	v5 =	vmovc v11;
	s20 =	smov.u32 s22;
	v17 =	vsel vm0, $0xFFFFFF82, v0;
	v18 =	vmul.f32 $2.857142980e-01, v15;
	v7 =	vmovc v15  }
0x171: {  	v10 =	vsel vm0, v10, v13;
	v11 =	vadd.s32 v14, v17;
	v12 =	vadd.f32 $2.000000000e+00, v12  }
.Ltmp4:
0x172: {  	v11 =	vcvt.s32.f32 v11;
	v13 =	vadd.f32 $1.000000000e+00, v10;
	v14 =	vadd.f32 $4.000000060e-01, v18;
	(pc) =	sbr.rel @p0 .LBB2_10-.Ltmp4, $4  }
0x173: {  	v15 =	vadd.f32 $-1.000000000e+00, v8;
	v8 =	vmovc v10;
	v18 =	vmul.f32 v12, v6;
	v12 =	vmul.f32 $6.931471820e-01, v2;
	v2 =	vmovc v3  }
0x174: {  	v17 =	vadd.f32 $1.000000000e-15, v9;
	(erf) = vrcp.f32 v13;
	v3 =	vpop (erf);
	v14 =	vmul.f32 v14, v7  }
0x175: {  	vm0 =	vlt.s32 v9, $0x0;
	v9 =	vmul.f32 v3, v15;
	v10 =	vadd.f32 v18, v12;
	v3 =	vmovc v4;
	v4 =	vmovc v11  }
0x176: {  	v6 =	vmovc v16;
	v13 =	vand.u32 $0x7FFFFF, v5;
	v11 =	vand.u32 $0x7FFFFFFF, v17;
	v12 =	vadd.f32 $6.666666860e-01, v14  }
0x177: {  	v13 =	vor.u32 $0x3F800000, v13;
	v14 =	vand.u32 $0x7FFFFF, v11  }
0x178: {  	v15 =	vmul.f32 $5.000000000e-01, v13;
	v14 =	vor.u32 $0x3F800000, v14  }
0x179: {  	vm2 =	vgt.f32 v13, $1.414213540e+00;
	v16 =	vmul.f32 $5.000000000e-01, v14  }
0x17a: {  	vm1 =	vgt.f32 v14, $1.414213540e+00;
	v13 =	vsel vm2, v15, v13  }
0x17b: {  	v15 =	vadd.f32 $1.000000000e+00, v13;
	v14 =	vsel vm1, v16, v14  }
0x17c: {  	v16 =	vadd.f32 $1.000000000e+00, v14  }
0x17d: {  	(erf) = vrcp.f32 v15  }
0x17e: {  	(erf) = vrcp.f32 v16;
	_ =	sdelay $0x4  }
0x17f: {  	v13 =	vadd.f32 $-1.000000000e+00, v13  }
0x180: {  	v8 =	vadd.f32 $-1.000000000e+00, v8  }
0x181: {  	v57 =	vmul.f32 v9, v9;
	v15 =	vpop (erf)  }
0x182: {  	v7 =	vmul.f32 v12, v7;
	v14 =	vadd.f32 $-1.000000000e+00, v14;
	v8 =	vmul.f32 v15, v8;
	v12 =	vpop (erf)  }
0x183: {  	v15 =	vmul.f32 $2.857142980e-01, v57;
	v12 =	vmul.f32 v12, v13;
	v13 =	vpop (erf)  }
0x184: {  	v13 =	vmul.f32 v13, v14;
	v14 =	vmul.f32 v8, v8  }
0x185: {  	v2 =	vmul.f32 $6.931471820e-01, v2;
	v7 =	vadd.f32 $2.000000000e+00, v7;
	v17 =	vmul.f32 v12, v12  }
0x186: {  	v15 =	vadd.f32 $4.000000060e-01, v15;
	v18 =	vmul.f32 v13, v13;
	v19 =	vmul.f32 $2.857142980e-01, v14  }
0x187: {  	v5 =	vshrl.u32 v5, $0x17;
	v6 =	vmul.f32 v7, v6;
	v20 =	vmul.f32 $2.857142980e-01, v17  }
0x188: {  	v15 =	vmul.f32 v15, v57;
	v7 =	vmul.f32 $2.857142980e-01, v18;
	v19 =	vadd.f32 $4.000000060e-01, v19  }
0x189: {  	v11 =	vshrl.u32 v11, $0x17;
	v60 =	vsel vm0, $0x40490FDB, v1;
	v20 =	vadd.f32 $4.000000060e-01, v20  }
0x18a: {  	v15 =	vadd.f32 $6.666666860e-01, v15;
	v7 =	vadd.f32 $4.000000060e-01, v7;
	v19 =	vmul.f32 v19, v14  }
0x18b: {  	v3 =	vmul.f32 $6.931471820e-01, v3;
	v2 =	vadd.f32 v6, v2;
	v20 =	vmul.f32 v20, v17  }
0x18c: {  	v6 =	vmul.f32 v7, v18;
	v7 =	vmul.f32 v15, v57;
	v15 =	vadd.f32 $6.666666860e-01, v19  }
0x18d: {  	v4 =	vmul.f32 $6.931471820e-01, v4;
	v21 =	vsel vm2, $0xFFFFFF82, v0;
	v58 =	vadd.f32 $6.666666860e-01, v20  }
0x18e: {  	v5 =	vadd.s32 v5, v21;
	v6 =	vadd.f32 $6.666666860e-01, v6;
	v14 =	vmul.f32 v15, v14  }
0x18f: {  	v59 =	vsel vm1, $0xFFFFFF82, v0;
	v7 =	vadd.f32 $2.000000000e+00, v7;
	v15 =	vmul.f32 v58, v17  }
0x190: {  	v11 =	vadd.s32 v11, v59;
	v6 =	vmul.f32 v6, v18;
	v14 =	vadd.f32 $2.000000000e+00, v14  }
0x191: {  	v5 =	vcvt.s32.f32 v5;
	v7 =	vmul.f32 v7, v9;
	v9 =	vadd.f32 $2.000000000e+00, v15  }
0x192: {  	[tilespmem:s2+$0x3400] =	vst v10;
	v11 =	vcvt.s32.f32 v11;
	v8 =	vmul.f32 v14, v8;
	v6 =	vadd.f32 $2.000000000e+00, v6  }
0x193: {  	[tilespmem:s20+$0x3480] =	vst v60;
	v5 =	vmul.f32 $6.931471820e-01, v5;
	v3 =	vadd.f32 v7, v3;
	v7 =	vmul.f32 v9, v12  }
0x194: {  	[tilespmem:s29+$0x3400] =	vst v2;
	v2 =	vadd.f32 v8, v4;
	v4 =	vmul.f32 v6, v13;
	v6 =	vmul.f32 $6.931471820e-01, v11  }
0x195: {  	[tilespmem:s0+$0x3400] =	vst v3;
	v3 =	vadd.f32 v7, v5  }
0x196: {  	[tilespmem:s18+$0x3400] =	vst v2;
	v2 =	vadd.f32 v4, v6  }
0x197: {  	[tilespmem:s19+$0x3400] =	vst v3  }
0x198: {  	[tilespmem:s20+$0x3400] =	vst v2  }
0x199: {  	_ =	swait.ge [sflag:s24], $0x80  }
0x19a: {  	[sflag:s24] =	ssyncset.done $0x0  }
0x19b: {  	s2 =	simm.s32 $0x0;
	[sflag:s24] =	ssyncadd.s32 $0xFFFFFF80  }
0x19c: {  	v2 =	vld [tilespmem:s2+$0x3280];
	_ =	sdelay $0x4  }
0x19d: {  	v3 =	vadd.f32 $1.000000000e-15, v2;
	_ =	sdelay $0x1  }
0x19e: {  	v3 =	vand.u32 $0x7FFFFFFF, v3  }
0x19f: {  	s29 =	simm.s32 $0x10;
	v4 =	vand.u32 $0x7FFFFF, v3  }
0x1a0: {  	v5 =	vld [tilespmem:s29+$0x3280];
	v4 =	vor.u32 $0x3F800000, v4  }
0x1a1: {  	v6 =	vmul.f32 $5.000000000e-01, v4  }
0x1a2: {  	vm0 =	vgt.f32 v4, $1.414213540e+00  }
0x1a3: {  	v4 =	vsel vm0, v6, v4  }
0x1a4: {  	v6 =	vadd.f32 $1.000000000e+00, v4  }
0x1a5: {  	v7 =	vadd.f32 $1.000000000e-15, v5;
	vm1 =	vlt.s32 v2, $0x0  }
0x1a6: {  	v2 =	vsel vm1, $0x40490FDB, v1;
	(erf) = vrcp.f32 v6  }
0x1a7: {  	s0 =	simm.s32 $0x20;
	[tilespmem:s2+$0x3580] =	vst v2;
	v6 =	vand.u32 $0x7FFFFFFF, v7  }
0x1a8: {  	v7 =	vld [tilespmem:s0+$0x3280];
	v2 =	vand.u32 $0x7FFFFF, v6  }
0x1a9: {  	v2 =	vor.u32 $0x3F800000, v2  }
0x1aa: {  	vm1 =	vlt.s32 v5, $0x0;
	v8 =	vmul.f32 $5.000000000e-01, v2  }
0x1ab: {  	v5 =	vsel vm1, $0x40490FDB, v1;
	vm2 =	vgt.f32 v2, $1.414213540e+00  }
0x1ac: {  	v8 =	vsel vm2, v8, v2;
	v2 =	vshrl.u32 v3, $0x17;
	v3 =	vsel vm0, $0xFFFFFF82, v0  }
0x1ad: {  	[tilespmem:s29+$0x3580] =	vst v5;
	v9 =	vadd.f32 $1.000000000e-15, v7;
	v5 =	vadd.f32 $1.000000000e+00, v8;
	v2 =	vadd.s32 v2, v3  }
0x1ae: {  	s18 =	simm.s32 $0x30;
	v4 =	vadd.f32 $-1.000000000e+00, v4;
	vm0 =	vlt.s32 v7, $0x0;
	v11 =	vcvt.s32.f32 v2  }
0x1af: {  	v7 =	vld [tilespmem:s18+$0x3280];
	v2 =	vshrl.u32 v6, $0x17;
	(erf) = vrcp.f32 v5;
	v5 =	vand.u32 $0x7FFFFFFF, v9;
	v3 =	vpop (erf)  }
0x1b0: {  	v9 =	vmul.f32 v3, v4;
	v3 =	vsel vm2, $0xFFFFFF82, v0;
	v4 =	vand.u32 $0x7FFFFF, v5  }
0x1b1: {  	v2 =	vadd.s32 v2, v3;
	v3 =	vor.u32 $0x3F800000, v4  }
0x1b2: {  	v12 =	vmul.f32 $5.000000000e-01, v3  }
0x1b3: {  	v10 =	vsel vm0, $0x40490FDB, v1;
	v4 =	vmul.f32 v9, v9;
	vm0 =	vgt.f32 v3, $1.414213540e+00  }
0x1b4: {  	[tilespmem:s0+$0x3580] =	vst v10;
	v6 =	vadd.f32 $1.000000000e-15, v7;
	v10 =	vsel vm0, v12, v3  }
0x1b5: {  	v14 =	vmul.f32 $2.857142980e-01, v4;
	v3 =	vshrl.u32 v5, $0x17;
	v5 =	vadd.f32 $1.000000000e+00, v10  }
0x1b6: {  	s19 =	simm.s32 $0x40;
	v8 =	vadd.f32 $-1.000000000e+00, v8;
	v11 =	vmul.f32 $6.931471820e-01, v11  }
0x1b7: {  	v15 =	vld [tilespmem:s19+$0x3280];
	v13 =	vsel vm0, $0xFFFFFF82, v0;
	v12 =	vand.u32 $0x7FFFFFFF, v6;
	v6 =	vadd.f32 $4.000000060e-01, v14  }
0x1b8: {  	v2 =	vcvt.s32.f32 v2;
	vm0 =	vlt.s32 v7, $0x0;
	v3 =	vadd.s32 v3, v13  }
0x1b9: {  	v14 =	vand.u32 $0x7FFFFF, v12;
	(erf) = vrcp.f32 v5;
	v13 =	vmul.f32 v6, v4;
	v5 =	vpop (erf)  }
0x1ba: {  	v7 =	vsel vm0, $0x40490FDB, v1;
	v6 =	vmul.f32 v5, v8;
	v5 =	vor.u32 $0x3F800000, v14  }
0x1bb: {  	v13 =	vadd.f32 $6.666666860e-01, v13;
	vm0 =	vgt.f32 v5, $1.414213540e+00;
	v8 =	vmul.f32 $5.000000000e-01, v5  }
0x1bc: {  	s20 =	simm.s32 $0x50;
	[tilespmem:s18+$0x3580] =	vst v7;
	v14 =	vadd.f32 $1.000000000e-15, v15;
	v7 =	vmul.f32 v6, v6;
	v61 =	vsel vm0, $0xFFFFFF82, v0  }
0x1bd: {  	v4 =	vmul.f32 v13, v4;
	v8 =	vsel vm0, v8, v5;
	vm0 =	vlt.s32 v15, $0x0;
	v15 =	vld [tilespmem:s20+$0x3280]  }
0x1be: {  	v10 =	vadd.f32 $-1.000000000e+00, v10;
	v12 =	vshrl.u32 v12, $0x17;
	v13 =	vmul.f32 $2.857142980e-01, v7  }
0x1bf: {  	v3 =	vcvt.s32.f32 v3;
	v12 =	vadd.s32 v12, v61;
	v62 =	vadd.f32 $2.000000000e+00, v4  }
0x1c0: {  	v4 =	vcvt.s32.f32 v12;
	v12 =	vadd.f32 $1.000000000e+00, v8;
	v13 =	vadd.f32 $4.000000060e-01, v13  }
0x1c1: {  	v5 =	vand.u32 $0x7FFFFFFF, v14;
	v14 =	vsel vm0, $0x40490FDB, v1;
	v16 =	vmul.f32 v62, v9  }
0x1c2: {  	(erf) = vrcp.f32 v12;
	v9 =	vpop (erf);
	v63 =	vadd.f32 $1.000000000e-15, v15;
	v12 =	vmul.f32 v13, v7  }
0x1c3: {  	s21 =	simm.s32 $0x180;
	[tilespmem:s19+$0x3580] =	vst v14;
	v9 =	vmul.f32 v9, v10;
	vm0 =	vlt.s32 v15, $0x0;
	v10 =	vadd.f32 v16, v11  }
0x1c4: {  	v13 =	vand.u32 $0x7FFFFF, v5;
	v11 =	vand.u32 $0x7FFFFFFF, v63;
	v12 =	vadd.f32 $6.666666860e-01, v12  }
.LBB2_12:
0x1c5: {  	s22 =	sshra.s32 s21, $0x2;
	p0 =	sne.s32 s21, $0x1C0;
	s21 =	sadd.s32 $0x40, s21;
	v14 =	vsel vm0, $0x40490FDB, v1;
	v13 =	vor.u32 $0x3F800000, v13;
	v15 =	vmul.f32 v9, v9;
	[tilespmem:s2+$0x3500] =	vst v10;
	v16 =	vmovc v9  }
0x1c6: {  	s2 =	smov.u32 s29;
	s29 =	smov.u32 s0;
	s0 =	smov.u32 s18;
	v9 =	vld [tilespmem:s22+$0x3280];
	[tilespmem:s20+$0x3580] =	vst v14;
	vm0 =	vgt.f32 v13, $1.414213540e+00;
	v10 =	vmul.f32 $5.000000000e-01, v13;
	v12 =	vmul.f32 v12, v7  }
0x1c7: {  	s18 =	smov.u32 s19;
	s19 =	smov.u32 s20;
	v14 =	vshrl.u32 v5, $0x17;
	v5 =	vmovc v11;
	s20 =	smov.u32 s22;
	v17 =	vsel vm0, $0xFFFFFF82, v0;
	v18 =	vmul.f32 $2.857142980e-01, v15;
	v7 =	vmovc v15  }
0x1c8: {  	v10 =	vsel vm0, v10, v13;
	v11 =	vadd.s32 v14, v17;
	v12 =	vadd.f32 $2.000000000e+00, v12  }
.Ltmp5:
0x1c9: {  	v11 =	vcvt.s32.f32 v11;
	v13 =	vadd.f32 $1.000000000e+00, v10;
	v14 =	vadd.f32 $4.000000060e-01, v18;
	(pc) =	sbr.rel @p0 .LBB2_12-.Ltmp5, $4  }
0x1ca: {  	v15 =	vadd.f32 $-1.000000000e+00, v8;
	v8 =	vmovc v10;
	v18 =	vmul.f32 v12, v6;
	v12 =	vmul.f32 $6.931471820e-01, v2;
	v2 =	vmovc v3  }
0x1cb: {  	v17 =	vadd.f32 $1.000000000e-15, v9;
	(erf) = vrcp.f32 v13;
	v3 =	vpop (erf);
	v14 =	vmul.f32 v14, v7  }
0x1cc: {  	vm0 =	vlt.s32 v9, $0x0;
	v9 =	vmul.f32 v3, v15;
	v10 =	vadd.f32 v18, v12;
	v3 =	vmovc v4;
	v4 =	vmovc v11  }
0x1cd: {  	v6 =	vmovc v16;
	v13 =	vand.u32 $0x7FFFFF, v5;
	v11 =	vand.u32 $0x7FFFFFFF, v17;
	v12 =	vadd.f32 $6.666666860e-01, v14  }
0x1ce: {  	v13 =	vor.u32 $0x3F800000, v13;
	v14 =	vand.u32 $0x7FFFFF, v11  }
0x1cf: {  	v15 =	vmul.f32 $5.000000000e-01, v13;
	v14 =	vor.u32 $0x3F800000, v14  }
0x1d0: {  	vm2 =	vgt.f32 v13, $1.414213540e+00;
	v16 =	vmul.f32 $5.000000000e-01, v14  }
0x1d1: {  	vm1 =	vgt.f32 v14, $1.414213540e+00;
	v13 =	vsel vm2, v15, v13  }
0x1d2: {  	v15 =	vadd.f32 $1.000000000e+00, v13;
	v14 =	vsel vm1, v16, v14  }
0x1d3: {  	v16 =	vadd.f32 $1.000000000e+00, v14  }
0x1d4: {  	(erf) = vrcp.f32 v15  }
0x1d5: {  	(erf) = vrcp.f32 v16;
	_ =	sdelay $0x4  }
0x1d6: {  	v13 =	vadd.f32 $-1.000000000e+00, v13  }
0x1d7: {  	v8 =	vadd.f32 $-1.000000000e+00, v8  }
0x1d8: {  	v57 =	vmul.f32 v9, v9;
	v15 =	vpop (erf)  }
0x1d9: {  	v7 =	vmul.f32 v12, v7;
	v14 =	vadd.f32 $-1.000000000e+00, v14;
	v8 =	vmul.f32 v15, v8;
	v12 =	vpop (erf)  }
0x1da: {  	v15 =	vmul.f32 $2.857142980e-01, v57;
	v12 =	vmul.f32 v12, v13;
	v13 =	vpop (erf)  }
0x1db: {  	v13 =	vmul.f32 v13, v14;
	v14 =	vmul.f32 v8, v8  }
0x1dc: {  	v2 =	vmul.f32 $6.931471820e-01, v2;
	v7 =	vadd.f32 $2.000000000e+00, v7;
	v17 =	vmul.f32 v12, v12  }
0x1dd: {  	v15 =	vadd.f32 $4.000000060e-01, v15;
	v18 =	vmul.f32 v13, v13;
	v19 =	vmul.f32 $2.857142980e-01, v14  }
0x1de: {  	v5 =	vshrl.u32 v5, $0x17;
	v6 =	vmul.f32 v7, v6;
	v20 =	vmul.f32 $2.857142980e-01, v17  }
0x1df: {  	v15 =	vmul.f32 v15, v57;
	v7 =	vmul.f32 $2.857142980e-01, v18;
	v19 =	vadd.f32 $4.000000060e-01, v19  }
0x1e0: {  	v11 =	vshrl.u32 v11, $0x17;
	v60 =	vsel vm0, $0x40490FDB, v1;
	v20 =	vadd.f32 $4.000000060e-01, v20  }
0x1e1: {  	v15 =	vadd.f32 $6.666666860e-01, v15;
	v7 =	vadd.f32 $4.000000060e-01, v7;
	v19 =	vmul.f32 v19, v14  }
0x1e2: {  	v3 =	vmul.f32 $6.931471820e-01, v3;
	v2 =	vadd.f32 v6, v2;
	v20 =	vmul.f32 v20, v17  }
0x1e3: {  	v6 =	vmul.f32 v7, v18;
	v7 =	vmul.f32 v15, v57;
	v15 =	vadd.f32 $6.666666860e-01, v19  }
0x1e4: {  	v4 =	vmul.f32 $6.931471820e-01, v4;
	v21 =	vsel vm2, $0xFFFFFF82, v0;
	v58 =	vadd.f32 $6.666666860e-01, v20  }
0x1e5: {  	v5 =	vadd.s32 v5, v21;
	v6 =	vadd.f32 $6.666666860e-01, v6;
	v14 =	vmul.f32 v15, v14  }
0x1e6: {  	v59 =	vsel vm1, $0xFFFFFF82, v0;
	v7 =	vadd.f32 $2.000000000e+00, v7;
	v15 =	vmul.f32 v58, v17  }
0x1e7: {  	v11 =	vadd.s32 v11, v59;
	v6 =	vmul.f32 v6, v18;
	v14 =	vadd.f32 $2.000000000e+00, v14  }
0x1e8: {  	v5 =	vcvt.s32.f32 v5;
	v7 =	vmul.f32 v7, v9;
	v9 =	vadd.f32 $2.000000000e+00, v15  }
0x1e9: {  	[tilespmem:s2+$0x3500] =	vst v10;
	v11 =	vcvt.s32.f32 v11;
	v8 =	vmul.f32 v14, v8;
	v6 =	vadd.f32 $2.000000000e+00, v6  }
0x1ea: {  	[tilespmem:s20+$0x3580] =	vst v60;
	v5 =	vmul.f32 $6.931471820e-01, v5;
	v3 =	vadd.f32 v7, v3;
	v7 =	vmul.f32 v9, v12  }
0x1eb: {  	[tilespmem:s29+$0x3500] =	vst v2;
	v2 =	vadd.f32 v8, v4;
	v4 =	vmul.f32 v6, v13;
	v6 =	vmul.f32 $6.931471820e-01, v11  }
0x1ec: {  	[tilespmem:s0+$0x3500] =	vst v3;
	v3 =	vadd.f32 v7, v5  }
0x1ed: {  	[tilespmem:s18+$0x3500] =	vst v2;
	v2 =	vadd.f32 v4, v6  }
0x1ee: {  	[tilespmem:s19+$0x3500] =	vst v3  }
0x1ef: {  	[tilespmem:s20+$0x3500] =	vst v2  }
0x1f0: {  	_ =	swait.ge [sflag:s24], $0x80  }
0x1f1: {  	[sflag:s24] =	ssyncset.done $0x0  }
0x1f2: {  	s2 =	simm.s32 $0x0;
	[sflag:s24] =	ssyncadd.s32 $0xFFFFFF80  }
0x1f3: {  	v2 =	vld [tilespmem:s2+$0x3300];
	_ =	sdelay $0x4  }
0x1f4: {  	v3 =	vadd.f32 $1.000000000e-15, v2;
	_ =	sdelay $0x1  }
0x1f5: {  	v3 =	vand.u32 $0x7FFFFFFF, v3  }
0x1f6: {  	s29 =	simm.s32 $0x10;
	v4 =	vand.u32 $0x7FFFFF, v3  }
0x1f7: {  	v5 =	vld [tilespmem:s29+$0x3300];
	v4 =	vor.u32 $0x3F800000, v4  }
0x1f8: {  	v6 =	vmul.f32 $5.000000000e-01, v4  }
0x1f9: {  	vm0 =	vgt.f32 v4, $1.414213540e+00  }
0x1fa: {  	v4 =	vsel vm0, v6, v4  }
0x1fb: {  	v6 =	vadd.f32 $1.000000000e+00, v4  }
0x1fc: {  	v7 =	vadd.f32 $1.000000000e-15, v5;
	vm1 =	vlt.s32 v2, $0x0  }
0x1fd: {  	v2 =	vsel vm1, $0x40490FDB, v1;
	(erf) = vrcp.f32 v6  }
0x1fe: {  	s0 =	simm.s32 $0x20;
	[tilespmem:s2+$0x3680] =	vst v2;
	v6 =	vand.u32 $0x7FFFFFFF, v7  }
0x1ff: {  	v7 =	vld [tilespmem:s0+$0x3300];
	v2 =	vand.u32 $0x7FFFFF, v6  }
0x200: {  	v2 =	vor.u32 $0x3F800000, v2  }
0x201: {  	vm1 =	vlt.s32 v5, $0x0;
	v8 =	vmul.f32 $5.000000000e-01, v2  }
0x202: {  	v5 =	vsel vm1, $0x40490FDB, v1;
	vm2 =	vgt.f32 v2, $1.414213540e+00  }
0x203: {  	v8 =	vsel vm2, v8, v2;
	v2 =	vshrl.u32 v3, $0x17;
	v3 =	vsel vm0, $0xFFFFFF82, v0  }
0x204: {  	[tilespmem:s29+$0x3680] =	vst v5;
	v9 =	vadd.f32 $1.000000000e-15, v7;
	v5 =	vadd.f32 $1.000000000e+00, v8;
	v2 =	vadd.s32 v2, v3  }
0x205: {  	s18 =	simm.s32 $0x30;
	v4 =	vadd.f32 $-1.000000000e+00, v4;
	vm0 =	vlt.s32 v7, $0x0;
	v11 =	vcvt.s32.f32 v2  }
0x206: {  	v7 =	vld [tilespmem:s18+$0x3300];
	v2 =	vshrl.u32 v6, $0x17;
	(erf) = vrcp.f32 v5;
	v5 =	vand.u32 $0x7FFFFFFF, v9;
	v3 =	vpop (erf)  }
0x207: {  	v9 =	vmul.f32 v3, v4;
	v3 =	vsel vm2, $0xFFFFFF82, v0;
	v4 =	vand.u32 $0x7FFFFF, v5  }
0x208: {  	v2 =	vadd.s32 v2, v3;
	v3 =	vor.u32 $0x3F800000, v4  }
0x209: {  	v12 =	vmul.f32 $5.000000000e-01, v3  }
0x20a: {  	v10 =	vsel vm0, $0x40490FDB, v1;
	v4 =	vmul.f32 v9, v9;
	vm0 =	vgt.f32 v3, $1.414213540e+00  }
0x20b: {  	[tilespmem:s0+$0x3680] =	vst v10;
	v6 =	vadd.f32 $1.000000000e-15, v7;
	v10 =	vsel vm0, v12, v3  }
0x20c: {  	v14 =	vmul.f32 $2.857142980e-01, v4;
	v3 =	vshrl.u32 v5, $0x17;
	v5 =	vadd.f32 $1.000000000e+00, v10  }
0x20d: {  	s19 =	simm.s32 $0x40;
	v8 =	vadd.f32 $-1.000000000e+00, v8;
	v11 =	vmul.f32 $6.931471820e-01, v11  }
0x20e: {  	v15 =	vld [tilespmem:s19+$0x3300];
	v13 =	vsel vm0, $0xFFFFFF82, v0;
	v12 =	vand.u32 $0x7FFFFFFF, v6;
	v6 =	vadd.f32 $4.000000060e-01, v14  }
0x20f: {  	v2 =	vcvt.s32.f32 v2;
	vm0 =	vlt.s32 v7, $0x0;
	v3 =	vadd.s32 v3, v13  }
0x210: {  	v14 =	vand.u32 $0x7FFFFF, v12;
	(erf) = vrcp.f32 v5;
	v13 =	vmul.f32 v6, v4;
	v5 =	vpop (erf)  }
0x211: {  	v7 =	vsel vm0, $0x40490FDB, v1;
	v6 =	vmul.f32 v5, v8;
	v5 =	vor.u32 $0x3F800000, v14  }
0x212: {  	v13 =	vadd.f32 $6.666666860e-01, v13;
	vm0 =	vgt.f32 v5, $1.414213540e+00;
	v8 =	vmul.f32 $5.000000000e-01, v5  }
0x213: {  	s20 =	simm.s32 $0x50;
	[tilespmem:s18+$0x3680] =	vst v7;
	v14 =	vadd.f32 $1.000000000e-15, v15;
	v7 =	vmul.f32 v6, v6;
	v61 =	vsel vm0, $0xFFFFFF82, v0  }
0x214: {  	v4 =	vmul.f32 v13, v4;
	v8 =	vsel vm0, v8, v5;
	vm0 =	vlt.s32 v15, $0x0;
	v15 =	vld [tilespmem:s20+$0x3300]  }
0x215: {  	v10 =	vadd.f32 $-1.000000000e+00, v10;
	v12 =	vshrl.u32 v12, $0x17;
	v13 =	vmul.f32 $2.857142980e-01, v7  }
0x216: {  	v3 =	vcvt.s32.f32 v3;
	v12 =	vadd.s32 v12, v61;
	v62 =	vadd.f32 $2.000000000e+00, v4  }
0x217: {  	v4 =	vcvt.s32.f32 v12;
	v12 =	vadd.f32 $1.000000000e+00, v8;
	v13 =	vadd.f32 $4.000000060e-01, v13  }
0x218: {  	v5 =	vand.u32 $0x7FFFFFFF, v14;
	v14 =	vsel vm0, $0x40490FDB, v1;
	v16 =	vmul.f32 v62, v9  }
0x219: {  	(erf) = vrcp.f32 v12;
	v9 =	vpop (erf);
	v63 =	vadd.f32 $1.000000000e-15, v15;
	v12 =	vmul.f32 v13, v7  }
0x21a: {  	s21 =	simm.s32 $0x180;
	[tilespmem:s19+$0x3680] =	vst v14;
	v9 =	vmul.f32 v9, v10;
	vm0 =	vlt.s32 v15, $0x0;
	v10 =	vadd.f32 v16, v11  }
0x21b: {  	v13 =	vand.u32 $0x7FFFFF, v5;
	v11 =	vand.u32 $0x7FFFFFFF, v63;
	v12 =	vadd.f32 $6.666666860e-01, v12  }
.LBB2_14:
0x21c: {  	s22 =	sshra.s32 s21, $0x2;
	p0 =	sne.s32 s21, $0x1C0;
	s21 =	sadd.s32 $0x40, s21;
	v14 =	vsel vm0, $0x40490FDB, v1;
	v13 =	vor.u32 $0x3F800000, v13;
	v15 =	vmul.f32 v9, v9;
	[tilespmem:s2+$0x3600] =	vst v10;
	v16 =	vmovc v9  }
0x21d: {  	s2 =	smov.u32 s29;
	s29 =	smov.u32 s0;
	s0 =	smov.u32 s18;
	v9 =	vld [tilespmem:s22+$0x3300];
	[tilespmem:s20+$0x3680] =	vst v14;
	vm0 =	vgt.f32 v13, $1.414213540e+00;
	v10 =	vmul.f32 $5.000000000e-01, v13;
	v12 =	vmul.f32 v12, v7  }
0x21e: {  	s18 =	smov.u32 s19;
	s19 =	smov.u32 s20;
	v14 =	vshrl.u32 v5, $0x17;
	v5 =	vmovc v11;
	s20 =	smov.u32 s22;
	v17 =	vsel vm0, $0xFFFFFF82, v0;
	v18 =	vmul.f32 $2.857142980e-01, v15;
	v7 =	vmovc v15  }
0x21f: {  	v10 =	vsel vm0, v10, v13;
	v11 =	vadd.s32 v14, v17;
	v12 =	vadd.f32 $2.000000000e+00, v12  }
.Ltmp6:
0x220: {  	v11 =	vcvt.s32.f32 v11;
	v13 =	vadd.f32 $1.000000000e+00, v10;
	v14 =	vadd.f32 $4.000000060e-01, v18;
	(pc) =	sbr.rel @p0 .LBB2_14-.Ltmp6, $4  }
0x221: {  	v15 =	vadd.f32 $-1.000000000e+00, v8;
	v8 =	vmovc v10;
	v18 =	vmul.f32 v12, v6;
	v12 =	vmul.f32 $6.931471820e-01, v2;
	v2 =	vmovc v3  }
0x222: {  	v17 =	vadd.f32 $1.000000000e-15, v9;
	(erf) = vrcp.f32 v13;
	v3 =	vpop (erf);
	v14 =	vmul.f32 v14, v7  }
0x223: {  	vm0 =	vlt.s32 v9, $0x0;
	v9 =	vmul.f32 v3, v15;
	v10 =	vadd.f32 v18, v12;
	v3 =	vmovc v4;
	v4 =	vmovc v11  }
0x224: {  	v6 =	vmovc v16;
	v13 =	vand.u32 $0x7FFFFF, v5;
	v11 =	vand.u32 $0x7FFFFFFF, v17;
	v12 =	vadd.f32 $6.666666860e-01, v14  }
0x225: {  	v13 =	vor.u32 $0x3F800000, v13;
	v14 =	vand.u32 $0x7FFFFF, v11  }
0x226: {  	v15 =	vmul.f32 $5.000000000e-01, v13;
	v14 =	vor.u32 $0x3F800000, v14  }
0x227: {  	vm2 =	vgt.f32 v13, $1.414213540e+00;
	v16 =	vmul.f32 $5.000000000e-01, v14  }
0x228: {  	vm1 =	vgt.f32 v14, $1.414213540e+00;
	v13 =	vsel vm2, v15, v13  }
0x229: {  	v15 =	vadd.f32 $1.000000000e+00, v13;
	v14 =	vsel vm1, v16, v14  }
0x22a: {  	v16 =	vadd.f32 $1.000000000e+00, v14  }
0x22b: {  	(erf) = vrcp.f32 v15  }
0x22c: {  	(erf) = vrcp.f32 v16;
	_ =	sdelay $0x4  }
0x22d: {  	v13 =	vadd.f32 $-1.000000000e+00, v13  }
0x22e: {  	v8 =	vadd.f32 $-1.000000000e+00, v8  }
0x22f: {  	v56 =	vmul.f32 v9, v9;
	v15 =	vpop (erf)  }
0x230: {  	v7 =	vmul.f32 v12, v7;
	v14 =	vadd.f32 $-1.000000000e+00, v14;
	v8 =	vmul.f32 v15, v8;
	v12 =	vpop (erf)  }
0x231: {  	v15 =	vmul.f32 $2.857142980e-01, v56;
	v12 =	vmul.f32 v12, v13;
	v13 =	vpop (erf)  }
0x232: {  	v13 =	vmul.f32 v13, v14;
	v14 =	vmul.f32 v8, v8  }
0x233: {  	v2 =	vmul.f32 $6.931471820e-01, v2;
	v7 =	vadd.f32 $2.000000000e+00, v7;
	v17 =	vmul.f32 v12, v12  }
0x234: {  	v15 =	vadd.f32 $4.000000060e-01, v15;
	v18 =	vmul.f32 v13, v13;
	v19 =	vmul.f32 $2.857142980e-01, v14  }
0x235: {  	v5 =	vshrl.u32 v5, $0x17;
	v6 =	vmul.f32 v7, v6;
	v20 =	vmul.f32 $2.857142980e-01, v17  }
0x236: {  	v15 =	vmul.f32 v15, v56;
	v7 =	vmul.f32 $2.857142980e-01, v18;
	v19 =	vadd.f32 $4.000000060e-01, v19  }
0x237: {  	v11 =	vshrl.u32 v11, $0x17;
	v59 =	vsel vm0, $0x40490FDB, v1;
	v20 =	vadd.f32 $4.000000060e-01, v20  }
0x238: {  	v15 =	vadd.f32 $6.666666860e-01, v15;
	v7 =	vadd.f32 $4.000000060e-01, v7;
	v19 =	vmul.f32 v19, v14  }
0x239: {  	v3 =	vmul.f32 $6.931471820e-01, v3;
	v2 =	vadd.f32 v6, v2;
	v20 =	vmul.f32 v20, v17  }
0x23a: {  	v6 =	vmul.f32 v7, v18;
	v7 =	vmul.f32 v15, v56;
	v15 =	vadd.f32 $6.666666860e-01, v19  }
0x23b: {  	v4 =	vmul.f32 $6.931471820e-01, v4;
	v21 =	vsel vm2, $0xFFFFFF82, v0;
	v57 =	vadd.f32 $6.666666860e-01, v20  }
0x23c: {  	v5 =	vadd.s32 v5, v21;
	v6 =	vadd.f32 $6.666666860e-01, v6;
	v14 =	vmul.f32 v15, v14  }
0x23d: {  	v58 =	vsel vm1, $0xFFFFFF82, v0;
	v7 =	vadd.f32 $2.000000000e+00, v7;
	v15 =	vmul.f32 v57, v17  }
0x23e: {  	v11 =	vadd.s32 v11, v58;
	v6 =	vmul.f32 v6, v18;
	v14 =	vadd.f32 $2.000000000e+00, v14  }
0x23f: {  	v5 =	vcvt.s32.f32 v5;
	v7 =	vmul.f32 v7, v9;
	v9 =	vadd.f32 $2.000000000e+00, v15  }
0x240: {  	[tilespmem:s2+$0x3600] =	vst v10;
	v11 =	vcvt.s32.f32 v11;
	v8 =	vmul.f32 v14, v8;
	v6 =	vadd.f32 $2.000000000e+00, v6  }
0x241: {  	[tilespmem:s20+$0x3680] =	vst v59;
	v5 =	vmul.f32 $6.931471820e-01, v5;
	v3 =	vadd.f32 v7, v3;
	v7 =	vmul.f32 v9, v12  }
0x242: {  	[tilespmem:s29+$0x3600] =	vst v2;
	v2 =	vadd.f32 v8, v4;
	v4 =	vmul.f32 v6, v13;
	v6 =	vmul.f32 $6.931471820e-01, v11  }
0x243: {  	[tilespmem:s0+$0x3600] =	vst v3;
	v3 =	vadd.f32 v7, v5  }
0x244: {  	[tilespmem:s18+$0x3600] =	vst v2;
	v2 =	vadd.f32 v4, v6  }
0x245: {  	[tilespmem:s19+$0x3600] =	vst v3  }
0x246: {  	[tilespmem:s20+$0x3600] =	vst v2  }
0x247: {  	_ =	swait.ge [sflag:s24], $0x80  }
0x248: {  	[sflag:s24] =	ssyncset.done $0x0  }
0x249: {  	s2 =	simm.s32 $0x0;
	[sflag:s24] =	ssyncadd.s32 $0xFFFFFF80  }
0x24a: {  	v2 =	vld [tilespmem:s2+$0x3380];
	_ =	sdelay $0x4  }
0x24b: {  	v3 =	vadd.f32 $1.000000000e-15, v2;
	_ =	sdelay $0x1  }
0x24c: {  	v3 =	vand.u32 $0x7FFFFFFF, v3  }
0x24d: {  	s29 =	simm.s32 $0x10;
	v4 =	vand.u32 $0x7FFFFF, v3  }
0x24e: {  	v5 =	vld [tilespmem:s29+$0x3380];
	v4 =	vor.u32 $0x3F800000, v4  }
0x24f: {  	v6 =	vmul.f32 $5.000000000e-01, v4  }
0x250: {  	vm0 =	vgt.f32 v4, $1.414213540e+00  }
0x251: {  	v4 =	vsel vm0, v6, v4  }
0x252: {  	v6 =	vadd.f32 $1.000000000e+00, v4  }
0x253: {  	v7 =	vadd.f32 $1.000000000e-15, v5;
	vm1 =	vlt.s32 v2, $0x0  }
0x254: {  	v2 =	vsel vm1, $0x40490FDB, v1;
	(erf) = vrcp.f32 v6  }
0x255: {  	s0 =	simm.s32 $0x20;
	[tilespmem:s2+$0x3780] =	vst v2;
	v6 =	vand.u32 $0x7FFFFFFF, v7  }
0x256: {  	v7 =	vld [tilespmem:s0+$0x3380];
	v2 =	vand.u32 $0x7FFFFF, v6  }
0x257: {  	v2 =	vor.u32 $0x3F800000, v2  }
0x258: {  	vm1 =	vlt.s32 v5, $0x0;
	v8 =	vmul.f32 $5.000000000e-01, v2  }
0x259: {  	v5 =	vsel vm1, $0x40490FDB, v1;
	vm2 =	vgt.f32 v2, $1.414213540e+00  }
0x25a: {  	v8 =	vsel vm2, v8, v2;
	v2 =	vshrl.u32 v3, $0x17;
	v3 =	vsel vm0, $0xFFFFFF82, v0  }
0x25b: {  	[tilespmem:s29+$0x3780] =	vst v5;
	v9 =	vadd.f32 $1.000000000e-15, v7;
	v5 =	vadd.f32 $1.000000000e+00, v8;
	v2 =	vadd.s32 v2, v3  }
0x25c: {  	s18 =	simm.s32 $0x30;
	v4 =	vadd.f32 $-1.000000000e+00, v4;
	vm0 =	vlt.s32 v7, $0x0;
	v11 =	vcvt.s32.f32 v2  }
0x25d: {  	v7 =	vld [tilespmem:s18+$0x3380];
	v2 =	vshrl.u32 v6, $0x17;
	(erf) = vrcp.f32 v5;
	v5 =	vand.u32 $0x7FFFFFFF, v9;
	v3 =	vpop (erf)  }
0x25e: {  	v9 =	vmul.f32 v3, v4;
	v3 =	vsel vm2, $0xFFFFFF82, v0;
	v4 =	vand.u32 $0x7FFFFF, v5  }
0x25f: {  	v2 =	vadd.s32 v2, v3;
	v3 =	vor.u32 $0x3F800000, v4  }
0x260: {  	v12 =	vmul.f32 $5.000000000e-01, v3  }
0x261: {  	v10 =	vsel vm0, $0x40490FDB, v1;
	v4 =	vmul.f32 v9, v9;
	vm0 =	vgt.f32 v3, $1.414213540e+00  }
0x262: {  	[tilespmem:s0+$0x3780] =	vst v10;
	v6 =	vadd.f32 $1.000000000e-15, v7;
	v10 =	vsel vm0, v12, v3  }
0x263: {  	v14 =	vmul.f32 $2.857142980e-01, v4;
	v3 =	vshrl.u32 v5, $0x17;
	v5 =	vadd.f32 $1.000000000e+00, v10  }
0x264: {  	s19 =	simm.s32 $0x40;
	v8 =	vadd.f32 $-1.000000000e+00, v8;
	v62 =	vmul.f32 $6.931471820e-01, v11  }
0x265: {  	v15 =	vld [tilespmem:s19+$0x3380];
	v13 =	vsel vm0, $0xFFFFFF82, v0;
	v12 =	vand.u32 $0x7FFFFFFF, v6;
	v6 =	vadd.f32 $4.000000060e-01, v14  }
0x266: {  	v2 =	vcvt.s32.f32 v2;
	vm0 =	vlt.s32 v7, $0x0;
	v3 =	vadd.s32 v3, v13  }
0x267: {  	v14 =	vand.u32 $0x7FFFFF, v12;
	(erf) = vrcp.f32 v5;
	v13 =	vmul.f32 v6, v4;
	v5 =	vpop (erf)  }
0x268: {  	v7 =	vsel vm0, $0x40490FDB, v1;
	v6 =	vmul.f32 v5, v8;
	v5 =	vor.u32 $0x3F800000, v14  }
0x269: {  	v13 =	vadd.f32 $6.666666860e-01, v13;
	vm0 =	vgt.f32 v5, $1.414213540e+00;
	v8 =	vmul.f32 $5.000000000e-01, v5  }
0x26a: {  	s20 =	simm.s32 $0x50;
	[tilespmem:s18+$0x3780] =	vst v7;
	v14 =	vadd.f32 $1.000000000e-15, v15;
	v7 =	vmul.f32 v6, v6;
	v60 =	vsel vm0, $0xFFFFFF82, v0  }
0x26b: {  	v4 =	vmul.f32 v13, v4;
	v8 =	vsel vm0, v8, v5;
	vm0 =	vlt.s32 v15, $0x0;
	v15 =	vld [tilespmem:s20+$0x3380]  }
0x26c: {  	v10 =	vadd.f32 $-1.000000000e+00, v10;
	v12 =	vshrl.u32 v12, $0x17;
	v13 =	vmul.f32 $2.857142980e-01, v7  }
0x26d: {  	v3 =	vcvt.s32.f32 v3;
	v12 =	vadd.s32 v12, v60;
	v61 =	vadd.f32 $2.000000000e+00, v4  }
0x26e: {  	v4 =	vcvt.s32.f32 v12;
	v12 =	vadd.f32 $1.000000000e+00, v8;
	v13 =	vadd.f32 $4.000000060e-01, v13  }
0x26f: {  	v5 =	vand.u32 $0x7FFFFFFF, v14;
	v14 =	vsel vm0, $0x40490FDB, v1;
	v9 =	vmul.f32 v61, v9  }
0x270: {  	(erf) = vrcp.f32 v12;
	v11 =	vpop (erf);
	v63 =	vadd.f32 $1.000000000e-15, v15;
	v12 =	vmul.f32 v13, v7  }
0x271: {  	s21 =	simm.s32 $0x180;
	[tilespmem:s19+$0x3780] =	vst v14;
	v11 =	vmul.f32 v11, v10;
	vm0 =	vlt.s32 v15, $0x0;
	v10 =	vadd.f32 v9, v62  }
0x272: {  	v13 =	vand.u32 $0x7FFFFF, v5;
	v9 =	vand.u32 $0x7FFFFFFF, v63;
	v12 =	vadd.f32 $6.666666860e-01, v12  }
.LBB2_16:
0x273: {  	s22 =	sshra.s32 s21, $0x2;
	p0 =	sne.s32 s21, $0x1C0;
	s21 =	sadd.s32 $0x40, s21;
	v14 =	vsel vm0, $0x40490FDB, v1;
	v13 =	vor.u32 $0x3F800000, v13;
	v15 =	vmul.f32 v11, v11;
	[tilespmem:s2+$0x3700] =	vst v10;
	v16 =	vmovc v11  }
0x274: {  	s2 =	smov.u32 s29;
	s29 =	smov.u32 s0;
	s0 =	smov.u32 s18;
	v10 =	vld [tilespmem:s22+$0x3380];
	[tilespmem:s20+$0x3780] =	vst v14;
	vm0 =	vgt.f32 v13, $1.414213540e+00;
	v11 =	vmul.f32 $5.000000000e-01, v13;
	v12 =	vmul.f32 v12, v7  }
0x275: {  	s18 =	smov.u32 s19;
	s19 =	smov.u32 s20;
	v14 =	vshrl.u32 v5, $0x17;
	v5 =	vmovc v9;
	s20 =	smov.u32 s22;
	v17 =	vsel vm0, $0xFFFFFF82, v0;
	v18 =	vmul.f32 $2.857142980e-01, v15;
	v7 =	vmovc v15  }
0x276: {  	v9 =	vsel vm0, v11, v13;
	v11 =	vadd.s32 v14, v17;
	v12 =	vadd.f32 $2.000000000e+00, v12  }
.Ltmp7:
0x277: {  	v13 =	vcvt.s32.f32 v11;
	v11 =	vadd.f32 $1.000000000e+00, v9;
	v14 =	vadd.f32 $4.000000060e-01, v18;
	(pc) =	sbr.rel @p0 .LBB2_16-.Ltmp7, $4  }
0x278: {  	v15 =	vadd.f32 $-1.000000000e+00, v8;
	v8 =	vmovc v9;
	v17 =	vmul.f32 v12, v6;
	v12 =	vmul.f32 $6.931471820e-01, v2;
	v2 =	vmovc v3  }
0x279: {  	v9 =	vadd.f32 $1.000000000e-15, v10;
	(erf) = vrcp.f32 v11;
	v3 =	vpop (erf);
	v14 =	vmul.f32 v14, v7  }
0x27a: {  	vm0 =	vlt.s32 v10, $0x0;
	v11 =	vmul.f32 v3, v15;
	v10 =	vadd.f32 v17, v12;
	v3 =	vmovc v4;
	v4 =	vmovc v13  }
0x27b: {  	v6 =	vmovc v16;
	v13 =	vand.u32 $0x7FFFFF, v5;
	v9 =	vand.u32 $0x7FFFFFFF, v9;
	v12 =	vadd.f32 $6.666666860e-01, v14  }
0x27c: {  	v13 =	vor.u32 $0x3F800000, v13;
	v14 =	vand.u32 $0x7FFFFF, v9  }
0x27d: {  	v15 =	vmul.f32 $5.000000000e-01, v13;
	v14 =	vor.u32 $0x3F800000, v14  }
0x27e: {  	vm2 =	vgt.f32 v13, $1.414213540e+00;
	v16 =	vmul.f32 $5.000000000e-01, v14  }
0x27f: {  	vm1 =	vgt.f32 v14, $1.414213540e+00;
	v13 =	vsel vm2, v15, v13  }
0x280: {  	v15 =	vadd.f32 $1.000000000e+00, v13;
	v14 =	vsel vm1, v16, v14  }
0x281: {  	v16 =	vadd.f32 $1.000000000e+00, v14  }
0x282: {  	(erf) = vrcp.f32 v15  }
0x283: {  	(erf) = vrcp.f32 v16;
	_ =	sdelay $0x5  }
0x284: {  	v8 =	vadd.f32 $-1.000000000e+00, v8  }
0x285: {  	v45 =	vmul.f32 v11, v11;
	v13 =	vadd.f32 $-1.000000000e+00, v13;
	v44 =	vpop (erf)  }
0x286: {  	v2 =	vmul.f32 $6.931471820e-01, v2;
	v14 =	vadd.f32 $-1.000000000e+00, v14;
	v8 =	vmul.f32 v44, v8;
	v17 =	vpop (erf)  }
0x287: {  	v18 =	vmul.f32 $2.857142980e-01, v45;
	v46 =	vpop (erf);
	v13 =	vmul.f32 v17, v13  }
0x288: {  	v48 =	vmul.f32 v8, v8;
	v14 =	vmul.f32 v46, v14  }
0x289: {  	v5 =	vshrl.u32 v5, $0x17;
	v3 =	vmul.f32 $6.931471820e-01, v3;
	v17 =	vmul.f32 v13, v13  }
0x28a: {  	v47 =	vadd.f32 $4.000000060e-01, v18;
	v19 =	vmul.f32 $2.857142980e-01, v48;
	v49 =	vmul.f32 v14, v14  }
0x28b: {  	v58 =	vshrl.u32 v9, $0x17;
	v7 =	vmul.f32 v12, v7;
	v21 =	vmul.f32 $2.857142980e-01, v17  }
0x28c: {  	v12 =	vmul.f32 v47, v45;
	v51 =	vadd.f32 $4.000000060e-01, v19;
	v22 =	vmul.f32 $2.857142980e-01, v49  }
0x28d: {  	v4 =	vmul.f32 $6.931471820e-01, v4;
	v7 =	vadd.f32 $2.000000000e+00, v7;
	v52 =	vadd.f32 $4.000000060e-01, v21  }
0x28e: {  	v50 =	vadd.f32 $6.666666860e-01, v12;
	v12 =	vmul.f32 v51, v48;
	v53 =	vadd.f32 $4.000000060e-01, v22  }
0x28f: {  	v60 =	vsel vm0, $0x40490FDB, v1;
	v6 =	vmul.f32 v7, v6;
	v55 =	vmul.f32 v52, v17  }
0x290: {  	v7 =	vmul.f32 v50, v45;
	v12 =	vadd.f32 $6.666666860e-01, v12;
	v56 =	vmul.f32 v53, v49  }
0x291: {  	v20 =	vsel vm2, $0xFFFFFF82, v0;
	v2 =	vadd.f32 v6, v2;
	v6 =	vadd.f32 $6.666666860e-01, v55  }
0x292: {  	v7 =	vadd.f32 $2.000000000e+00, v7;
	v57 =	vmul.f32 v12, v48;
	v16 =	vadd.f32 $6.666666860e-01, v56  }
0x293: {  	v54 =	vsel vm1, $0xFFFFFF82, v0;
	v5 =	vadd.s32 v5, v20;
	v6 =	vmul.f32 v6, v17  }
0x294: {  	v7 =	vmul.f32 v7, v11;
	v11 =	vadd.f32 $2.000000000e+00, v57;
	v59 =	vmul.f32 v16, v49  }
0x295: {  	v9 =	vadd.s32 v58, v54;
	v5 =	vcvt.s32.f32 v5;
	v6 =	vadd.f32 $2.000000000e+00, v6  }
0x296: {  	[tilespmem:s2+$0x3700] =	vst v10;
	v9 =	vcvt.s32.f32 v9;
	v8 =	vmul.f32 v11, v8;
	v61 =	vadd.f32 $2.000000000e+00, v59  }
0x297: {  	[tilespmem:s20+$0x3780] =	vst v60;
	v5 =	vmul.f32 $6.931471820e-01, v5;
	v3 =	vadd.f32 v7, v3;
	v6 =	vmul.f32 v6, v13  }
0x298: {  	v63 =	vmul.f32 $6.931471820e-01, v9;
	[tilespmem:s29+$0x3700] =	vst v2;
	v2 =	vadd.f32 v8, v4;
	v62 =	vmul.f32 v61, v14  }
0x299: {  	[tilespmem:s0+$0x3700] =	vst v3;
	v3 =	vadd.f32 v6, v5  }
0x29a: {  	s28 =	sadd.s32 $0x1, s28;
	[tilespmem:s18+$0x3700] =	vst v2;
	v2 =	vadd.f32 v62, v63  }
0x29b: {  	p0 =	sne.s32 s28, s9;
	[tilespmem:s19+$0x3700] =	vst v3  }
.Ltmp8:
0x29c: {  	[tilespmem:s20+$0x3700] =	vst v2;
	(pc) =	sbr.rel @p0 .LBB2_1-.Ltmp8, $4  }
0x29d: {  	[hbm4b:s8+s3] =	stream.linear.scatter [tilespmem:s25], [sflag:$0x3], $0x400, $0x38;
	[tilespmem:$0x3800] =	vst v63  }
0x29e: {  	_ =	swait.ge [sflag:s26], $0x400  }
0x29f: {  	[sflag:s26] =	ssyncset.done $0x0  }
0x2a0: {  	[sflag:s26] =	ssyncadd.s32 $0xFFFFFC00  }
0x2a1: {  	_ =	sfence.sel $0x180000  }
0x2a2: {  	[bflag:$0x0] =	sbarrier.arrive $0xFFFF  }
0x2a3: {  	_ =	strace $0x90000047  }
0x2a4: {  	s0 =	stileid.u32;
	[bflag:$0x2] =	sbarrier.arrive $0xFFFF  }
0x2a5: {  	p0 =	sne.s32 s0, $0x0;
	s0 =	rddreg [dreg:$0x3]  }
0x2a6: {  	s0 =	sadd.s32 @!p0 $0x100000, s0  }
0x2a7: {  	[sflag:s0] =	ssyncadd.tile.s32 @!p0 $0x1;
	_ =	shalt  }
.Lfunc_end2:
_tile_overlayer_lowered:
.L_overlay_start_2:
0x2a8: {  	(tag) =	ssettag $0x2  }
0x2a9: {  	s0 =	rddreg [dreg:$0x0];
	s2 =	stileid.u32  }
0x2aa: {  	s1 =	rddreg [dreg:$0x1];
	p0 =	sne.s32 s2, $0x0  }
0x2ab: {  	s3 =	rddreg [dreg:$0x2];
	[bflag:$0x3] =	sbarrier.arrive $0xFFFF;
	s2 =	simm.s32 @!p0 $0x1C03  }
0x2ac: {  	[timem:s3], [sflag:s2] =	dma.local @!p0 [hbm:s0], s1  }
0x2ad: {  	s0 =	simm.s32 @!p0 $0x3  }
0x2ae: {  	_ =	swait.ge @!p0 [sflag:s0], s1  }
0x2af: {  	s1 =	ssub.s32 @!p0 $0x0, s1;
	[sflag:s0] =	ssyncset.done @!p0 $0x0  }
0x2b0: {  	[sflag:s0] =	ssyncadd.s32 @!p0 s1  }
0x2b1: {  	[bflag:$0x3] =	sbarrier.arrive $0xFFFF  }
0x2b2: {  	_ =	shalt  }

</sc_bundles>
